<compile_context>
chip_gen: v7x
topology: tpu7x:2x2x1
jax: 0.10.2.dev20260603
libtpu: 0.0.44.dev20260713+nightly
codegen_flags: <defaults>
</compile_context>

<pallas_src>
import functools

import numpy as np

import jax
import jax.numpy as jnp
from jax import lax
from jax.experimental import pallas as pl
from jax.experimental.pallas import tpu as pltpu
from jax.experimental.pallas import tpu_sc as plsc

N = 10000
E = 320000
F = 128
C = 40
CP = 48
NC, NS = 2, 16
NW = NC * NS
AR = 10240
RPT = AR // NS
B1, NB1F, NB1S = 56, 180, 180
B2, NB2F, NB2S = 128, 116, 44

_PERM = np.empty(F, np.int32)
for _g in range(F // 32):
    for _i in range(16):
        _PERM[32 * _g + 2 * _i] = 32 * _g + _i
        _PERM[32 * _g + 2 * _i + 1] = 32 * _g + 16 + _i


@functools.cache
def _make_sc_aggregate(d, B, NBF, NBS, with_counts, depth=2,
                       bf16_table=False):
    mesh = plsc.VectorSubcoreMesh(core_axis_name="c", subcore_axis_name="s")
    NBM = max(NBF, NBS)

    out_type = [jax.ShapeDtypeStruct((NC * AR, d), jnp.float32)]
    scratch = [
        pltpu.VMEM_SHARED((AR, d), jnp.float32),
        pltpu.VMEM((NBM + depth, B), jnp.int32),
        pltpu.VMEM((NBM + depth, B), jnp.int32),
    ]
    tdt = jnp.bfloat16 if bf16_table else jnp.float32
    scratch += [pltpu.VMEM((B, d), tdt) for _ in range(depth)]
    if bf16_table:
        scratch += [pltpu.VMEM((B, d), jnp.float32) for _ in range(depth)]
    scratch += [pltpu.SemaphoreType.DMA for _ in range(2 * depth)]
    if with_counts:
        out_type.append(jax.ShapeDtypeStruct((NC * AR, 16), jnp.int16))
        scratch += [
            pltpu.VMEM_SHARED((AR, 16), jnp.int16),
            pltpu.VMEM((B, 16), jnp.int16),
        ]

    def body(table, src2, dst2, zeros_d, zeros16, ones16, *refs):
        if with_counts:
            cacc, onesv = refs[-2:]
            refs = refs[:-2]
            out, cnt_out, acc, srcl, dstl = refs[:5]
            rest = refs[5:]
        else:
            out, acc, srcl, dstl = refs[:4]
            rest = refs[4:]
        rows = rest[:depth]
        rest = rest[depth:]
        if bf16_table:
            rowsf = rest[:depth]
            rest = rest[depth:]
        sg = rest[:depth]
        ss = rest[depth:2 * depth]
        cid = lax.axis_index("c")
        sid = lax.axis_index("s")
        nb = jnp.where(cid == 0, NBF, NBS)
        wrow = jnp.where(cid == 0, sid * NBF, NS * NBF + sid * NBS)

        pltpu.sync_copy(src2.at[pl.ds(wrow, NBM + depth)], srcl)
        pltpu.sync_copy(dst2.at[pl.ds(wrow, NBM + depth)], dstl)

        pltpu.sync_copy(zeros_d.at[pl.ds(sid * RPT, RPT)],
                        acc.at[pl.ds(sid * RPT, RPT)])
        if with_counts:
            pltpu.sync_copy(zeros16.at[pl.ds(sid * RPT, RPT)],
                            cacc.at[pl.ds(sid * RPT, RPT)])
            pltpu.sync_copy(ones16, onesv)
        plsc.subcore_barrier()

        for m in range(depth):
            pltpu.async_copy(table.at[srcl.at[m]], rows[m], sg[m])

        def step(t, carry):
            j = depth * t
            descs = []
            for m in range(depth):
                pltpu.make_async_copy(table.at[srcl.at[j + m]], rows[m],
                                      sg[m]).wait()
                if bf16_table:
                    def conv_row(i, c, m=m):
                        for g in range(d // 32):
                            lo, hi = plsc.unpack(
                                rows[m][i, pl.ds(32 * g, 32)],
                                format=plsc.PackFormat.INTERLEAVED)
                            rowsf[m][i, pl.ds(32 * g, 16)] = lo
                            rowsf[m][i, pl.ds(32 * g + 16, 16)] = hi
                        return c
                    lax.fori_loop(0, B, conv_row, 0)
                    sbuf = rowsf[m]
                else:
                    sbuf = rows[m]
                descs.append(pltpu.async_copy(sbuf, acc.at[dstl.at[j + m]],
                                              ss[m], add=True))
                if with_counts:
                    descs.append(pltpu.async_copy(onesv,
                                                  cacc.at[dstl.at[j + m]],
                                                  ss[m], add=True))
            per = 2 if with_counts else 1
            for m in range(depth):
                for dsc in descs[m * per:(m + 1) * per]:
                    dsc.wait()
                pltpu.async_copy(table.at[srcl.at[j + depth + m]], rows[m],
                                 sg[m])
            return carry

        lax.fori_loop(0, nb // depth, step, 0)
        for m in range(depth):
            pltpu.make_async_copy(table.at[srcl.at[nb + m]], rows[m],
                                  sg[m]).wait()
        plsc.subcore_barrier()

        rbase = cid * AR + sid * RPT
        pltpu.sync_copy(acc.at[pl.ds(sid * RPT, RPT)],
                        out.at[pl.ds(rbase, RPT)])
        if with_counts:
            pltpu.sync_copy(cacc.at[pl.ds(sid * RPT, RPT)],
                            cnt_out.at[pl.ds(rbase, RPT)])

    return pl.kernel(body, out_type=tuple(out_type), mesh=mesh,
                     scratch_types=tuple(scratch),
                     compiler_params=pltpu.CompilerParams(
                         use_tc_tiling_on_sc=False,
                         needs_layout_passes=False))


def _tc_dense1(part, cntp, xpad, w1, b1, w2p):
    blk = 256
    grid = (AR // blk,)

    def body(part_ref, cnt_ref, x_ref, w1_ref, b1_ref, w2_ref, out_ref):
        z = part_ref[0] + part_ref[1] + x_ref[...]
        cnt = (cnt_ref[0, :, 0:1] + cnt_ref[1, :, 0:1]).astype(jnp.float32)
        zm = z / (cnt + 1.0)
        h = jnp.maximum(
            jnp.dot(zm, w1_ref[...], preferred_element_type=jnp.float32)
            + b1_ref[...], 0.0)
        out_ref[...] = jnp.dot(h, w2_ref[...],
                               preferred_element_type=jnp.float32)

    return pl.pallas_call(
        body,
        grid=grid,
        in_specs=[
            pl.BlockSpec((NC, blk, F), lambda i: (0, i, 0)),
            pl.BlockSpec((NC, blk, 16), lambda i: (0, i, 0)),
            pl.BlockSpec((blk, F), lambda i: (i, 0)),
            pl.BlockSpec((F, F), lambda i: (0, 0)),
            pl.BlockSpec((1, F), lambda i: (0, 0)),
            pl.BlockSpec((F, CP), lambda i: (0, 0)),
        ],
        out_specs=pl.BlockSpec((blk, CP), lambda i: (i, 0)),
        out_shape=jax.ShapeDtypeStruct((AR, CP), jnp.float32),
    )(part, cntp, xpad, w1, b1, w2p)


def _tc_dense2(qpart, ppad, cntp, b2):
    blk = 400
    grid = (N // blk,)

    def body(qp_ref, p_ref, cnt_ref, b2_ref, out_ref):
        q48 = qp_ref[0] + qp_ref[1] + p_ref[...]
        cnt = (cnt_ref[0, :, 0:1] + cnt_ref[1, :, 0:1]).astype(jnp.float32)
        q = q48[:, :C] / (cnt + 1.0) + b2_ref[...]
        m = jnp.max(q, axis=1, keepdims=True)
        e = jnp.exp(q - m)
        out_ref[...] = (q - m) - jnp.log(jnp.sum(e, axis=1, keepdims=True))

    return pl.pallas_call(
        body,
        grid=grid,
        in_specs=[
            pl.BlockSpec((NC, blk, CP), lambda i: (0, i, 0)),
            pl.BlockSpec((blk, CP), lambda i: (i, 0)),
            pl.BlockSpec((NC, blk, 16), lambda i: (0, i, 0)),
            pl.BlockSpec((1, C), lambda i: (0, 0)),
        ],
        out_specs=pl.BlockSpec((blk, C), lambda i: (i, 0)),
        out_shape=jax.ShapeDtypeStruct((N, C), jnp.float32),
    )(qpart, ppad, cntp, b2)


def kernel(x, edge_index, W1, b1, W2, b2):
    src = edge_index[0]
    dst = edge_index[1]
    def padded(a, b, nbf, nbs):
        rows = max(NS * (nbf + nbs),
                   NS * nbf + (NS - 1) * nbs + max(nbf, nbs)) + 2
        pad = jnp.full((rows * b - E,), N, dtype=jnp.int32)
        return jnp.concatenate([a, pad]).reshape(rows, b)

    srcp1, dstp1 = padded(src, B1, NB1F, NB1S), padded(dst, B1, NB1F, NB1S)
    srcp2, dstp2 = padded(src, B2, NB2F, NB2S), padded(dst, B2, NB2F, NB2S)

    xpad = jnp.zeros((AR, F), jnp.float32).at[:N].set(x)
    w2p = jnp.zeros((F, CP), jnp.float32).at[:, :C].set(W2)
    zF = jnp.zeros((AR, F), jnp.float32)
    z16 = jnp.zeros((AR, 16), jnp.int16)
    zCP = jnp.zeros((AR, CP), jnp.float32)
    ones16 = jnp.ones((B1, 16), jnp.int16)

    xbf = jnp.zeros((AR, F), jnp.bfloat16).at[:N].set(
        x[:, _PERM].astype(jnp.bfloat16))
    part, cntp = _make_sc_aggregate(F, B1, NB1F, NB1S, True,
                                    bf16_table=True)(
        xbf, srcp1, dstp1, zF, z16, ones16)
    part = part.reshape(NC, AR, F)
    cntp = cntp.reshape(NC, AR, 16)

    ppad = _tc_dense1(part, cntp, xpad, W1, b1.reshape(1, F), w2p)

    qpart, = _make_sc_aggregate(CP, B2, NB2F, NB2S, False)(
        ppad, srcp2, dstp2, zCP, z16, ones16)
    qpart = qpart.reshape(NC, AR, CP)

    return _tc_dense2(qpart, ppad, cntp, b2.reshape(1, C))

# --- scband reference (transcript-rebuilt; emitter-appended) ---
"""Pipeline reference for scband-mpnnnet-41180146434905 (READ-ONLY COPY).

The authoritative reference and input builder live on the scoring server;
editing this copy changes nothing except your own understanding.
"""

import jax, jax.numpy as jnp
import numpy as np

N_NODES = 10000
N_EDGES = 320000
NFEAT = 128
NHID = 128
NCLASS = 40


def setup_inputs(seed: int = 0) -> dict:
    key = jax.random.key(seed)
    k1, k2, k3, k4, k5, k6 = jax.random.split(key, 6)
    x = jax.random.normal(k1, (N_NODES, NFEAT), dtype=jnp.float32)
    edge_index = jax.random.randint(k2, (2, N_EDGES), 0, N_NODES, dtype=jnp.int32)
    # Linear layer params (torch.nn.Linear default init: U(-1/sqrt(fan_in), 1/sqrt(fan_in)))
    s1 = 1.0 / np.sqrt(NFEAT)
    W1 = jax.random.uniform(k3, (NFEAT, NHID), dtype=jnp.float32, minval=-s1, maxval=s1)
    b1 = jax.random.uniform(k4, (NHID,), dtype=jnp.float32, minval=-s1, maxval=s1)
    s2 = 1.0 / np.sqrt(NHID)
    W2 = jax.random.uniform(k5, (NHID, NCLASS), dtype=jnp.float32, minval=-s2, maxval=s2)
    b2 = jax.random.uniform(k6, (NCLASS,), dtype=jnp.float32, minval=-s2, maxval=s2)
    return {"x": x, "edge_index": edge_index, "W1": W1, "b1": b1, "W2": W2, "b2": b2}


def _mpnn_layer(x, src, dst, W, b, num_nodes):
    # MPNNLayer: x = lin(x); propagate(edge_index, x=x) with aggr='mean', message=x_j
    h = x @ W + b
    msg = h[src]  # x_j: gather source-node features per edge
    summed = jax.ops.segment_sum(msg, dst, num_segments=num_nodes)
    cnt = jax.ops.segment_sum(jnp.ones(src.shape[0], dtype=x.dtype), dst, num_segments=num_nodes)
    return summed / jnp.maximum(cnt, 1.0)[:, None]


def reference(x, edge_index, W1, b1, W2, b2):
    num_nodes = x.shape[0]
    # add_self_loops(edge_index, num_nodes)
    loops = jnp.arange(num_nodes, dtype=edge_index.dtype)
    ei = jnp.concatenate([edge_index, jnp.stack([loops, loops], axis=0)], axis=1)
    src, dst = ei[0], ei[1]
    # layer 1 + relu + dropout(eval: no-op) + relu
    h = _mpnn_layer(x, src, dst, W1, b1, num_nodes)
    h = jax.nn.relu(h)
    h = jax.nn.relu(h)
    # single-partition (world_size=1): no halo exchange / feature replacement needed;
    # owned_nodes == all nodes, so the slice [:len(owned_nodes)] is the full output.
    out = _mpnn_layer(h, src, dst, W2, b2, num_nodes)
    return jax.nn.log_softmax(out, axis=1)

if __name__ == "__main__":
    import jax
    _d = setup_inputs()
    print(jax.jit(kernel)(*tuple(_d.values())))

</pallas_src>

<mosaic_0001>
#map = affine_map<(d0, d1) -> (0, 0)>
module attributes {stable_mosaic.version = 14 : i64} {
  func.func @body(%arg0: i32, %arg1: i32, %arg2: memref<10240x48xf32, #tpu.memory_space<hbm>>, %arg3: memref<2634x128xi32, #tpu.memory_space<hbm>>, %arg4: memref<2634x128xi32, #tpu.memory_space<hbm>>, %arg5: memref<10240x48xf32, #tpu.memory_space<hbm>>, %arg6: memref<10240x16xi16, #tpu.memory_space<hbm>>, %arg7: memref<56x16xi16, #tpu.memory_space<hbm>>, %arg8: memref<20480x48xf32, #tpu.memory_space<hbm>>, %arg9: memref<10240x48xf32, #tpu.memory_space<vmem_shared>>, %arg10: memref<118x128xi32, #tpu.memory_space<vmem>>, %arg11: memref<118x128xi32, #tpu.memory_space<vmem>>, %arg12: memref<128x48xf32, #tpu.memory_space<vmem>>, %arg13: memref<128x48xf32, #tpu.memory_space<vmem>>, %arg14: memref<!tpu.dma_semaphore, #tpu.memory_space<semaphore_mem>>, %arg15: memref<!tpu.dma_semaphore, #tpu.memory_space<semaphore_mem>>, %arg16: memref<!tpu.dma_semaphore, #tpu.memory_space<semaphore_mem>>, %arg17: memref<!tpu.dma_semaphore, #tpu.memory_space<semaphore_mem>>) attributes {dimension_semantics = [#tpu.dimension_semantics<core_parallel>, #tpu.dimension_semantics<subcore_parallel>], iteration_bounds = array<i64: 2, 16>, scalar_prefetch = 0 : i64, scratch_operands = 9 : i64, tpu.core_type = #tpu.core_type<sc_vector_subcore>, window_params = [{transform_indices = #map}, {transform_indices = #map}, {transform_indices = #map}, {transform_indices = #map}, {transform_indices = #map}, {transform_indices = #map}, {transform_indices = #map}]} {
    %eq3A = arith.constant 0 : i32
    %eq3A_0 = arith.cmpi eq, %arg0, %eq3A : i32
    %jit3A = arith.constant 116 : i32
    %jit3A_1 = arith.constant 44 : i32
    %select_n3A = arith.select %eq3A_0, %jit3A, %jit3A_1 : i32
    %eq3A_2 = arith.constant 0 : i32
    %eq3A_3 = arith.cmpi eq, %arg0, %eq3A_2 : i32
    %mul3A = arith.constant 116 : i32
    %mul3A_4 = arith.muli %arg1, %mul3A : i32
    %mul3A_5 = arith.constant 44 : i32
    %mul3A_6 = arith.muli %arg1, %mul3A_5 : i32
    %add3A = arith.constant 1856 : i32
    %add3A_7 = arith.addi %add3A, %mul3A_6 : i32
    %select_n3A_8 = arith.select %eq3A_3, %mul3A_4, %add3A_7 : i32
    "tpu.region"() ({
      %run_scoped3A = tpu.sem_alloc : memref<!tpu.dma_semaphore, #tpu.memory_space<semaphore_mem>>
      %dma_start3A_76 = arith.constant 0 : i32
      %dma_start3A_77 = tpu.memref_slice %arg3[%select_n3A_8, %dma_start3A_76] : memref<2634x128xi32, #tpu.memory_space<hbm>> -> memref<118x128xi32, #tpu.memory_space<hbm>>
      %dma_start3A_78 = arith.constant 0 : i32
      %dma_start3A_79 = tpu.memref_slice %arg3[%select_n3A_8, %dma_start3A_78] : memref<2634x128xi32, #tpu.memory_space<hbm>> -> memref<118x128xi32, #tpu.memory_space<hbm>>
      tpu.enqueue_dma source(%dma_start3A_79 : memref<118x128xi32, #tpu.memory_space<hbm>>) target(%arg10 : memref<118x128xi32, #tpu.memory_space<vmem>>) target_semaphore(%run_scoped3A : memref<!tpu.dma_semaphore, #tpu.memory_space<semaphore_mem>>)
      %dma_wait3A_80 = arith.constant 0 : i32
      %dma_wait3A_81 = tpu.memref_slice %arg3[%select_n3A_8, %dma_wait3A_80] : memref<2634x128xi32, #tpu.memory_space<hbm>> -> memref<118x128xi32, #tpu.memory_space<hbm>>
      %dma_wait3A_82 = arith.constant 0 : i32
      %dma_wait3A_83 = tpu.memref_slice %arg3[%select_n3A_8, %dma_wait3A_82] : memref<2634x128xi32, #tpu.memory_space<hbm>> -> memref<118x128xi32, #tpu.memory_space<hbm>>
      tpu.wait_dma2 semaphore(%run_scoped3A : memref<!tpu.dma_semaphore, #tpu.memory_space<semaphore_mem>>) src(%dma_wait3A_83 : memref<118x128xi32, #tpu.memory_space<hbm>>) dst(%arg10 : memref<118x128xi32, #tpu.memory_space<vmem>>)
      tpu.yield
    }) : () -> ()
    "tpu.region"() ({
      %run_scoped3A = tpu.sem_alloc : memref<!tpu.dma_semaphore, #tpu.memory_space<semaphore_mem>>
      %dma_start3A_76 = arith.constant 0 : i32
      %dma_start3A_77 = tpu.memref_slice %arg4[%select_n3A_8, %dma_start3A_76] : memref<2634x128xi32, #tpu.memory_space<hbm>> -> memref<118x128xi32, #tpu.memory_space<hbm>>
      %dma_start3A_78 = arith.constant 0 : i32
      %dma_start3A_79 = tpu.memref_slice %arg4[%select_n3A_8, %dma_start3A_78] : memref<2634x128xi32, #tpu.memory_space<hbm>> -> memref<118x128xi32, #tpu.memory_space<hbm>>
      tpu.enqueue_dma source(%dma_start3A_79 : memref<118x128xi32, #tpu.memory_space<hbm>>) target(%arg11 : memref<118x128xi32, #tpu.memory_space<vmem>>) target_semaphore(%run_scoped3A : memref<!tpu.dma_semaphore, #tpu.memory_space<semaphore_mem>>)
      %dma_wait3A_80 = arith.constant 0 : i32
      %dma_wait3A_81 = tpu.memref_slice %arg4[%select_n3A_8, %dma_wait3A_80] : memref<2634x128xi32, #tpu.memory_space<hbm>> -> memref<118x128xi32, #tpu.memory_space<hbm>>
      %dma_wait3A_82 = arith.constant 0 : i32
      %dma_wait3A_83 = tpu.memref_slice %arg4[%select_n3A_8, %dma_wait3A_82] : memref<2634x128xi32, #tpu.memory_space<hbm>> -> memref<118x128xi32, #tpu.memory_space<hbm>>
      tpu.wait_dma2 semaphore(%run_scoped3A : memref<!tpu.dma_semaphore, #tpu.memory_space<semaphore_mem>>) src(%dma_wait3A_83 : memref<118x128xi32, #tpu.memory_space<hbm>>) dst(%arg11 : memref<118x128xi32, #tpu.memory_space<vmem>>)
      tpu.yield
    }) : () -> ()
    %mul3A_9 = arith.constant 640 : i32
    %mul3A_10 = arith.muli %arg1, %mul3A_9 : i32
    %mul3A_11 = arith.constant 640 : i32
    %mul3A_12 = arith.muli %arg1, %mul3A_11 : i32
    "tpu.region"() ({
      %run_scoped3A = tpu.sem_alloc : memref<!tpu.dma_semaphore, #tpu.memory_space<semaphore_mem>>
      %dma_start3A_76 = arith.constant 0 : i32
      %dma_start3A_77 = tpu.memref_slice %arg9[%mul3A_12, %dma_start3A_76] : memref<10240x48xf32, #tpu.memory_space<vmem_shared>> -> memref<640x48xf32, #tpu.memory_space<vmem_shared>>
      %dma_start3A_78 = arith.constant 0 : i32
      %dma_start3A_79 = tpu.memref_slice %arg5[%mul3A_10, %dma_start3A_78] : memref<10240x48xf32, #tpu.memory_space<hbm>> -> memref<640x48xf32, #tpu.memory_space<hbm>>
      tpu.enqueue_dma source(%dma_start3A_79 : memref<640x48xf32, #tpu.memory_space<hbm>>) target(%dma_start3A_77 : memref<640x48xf32, #tpu.memory_space<vmem_shared>>) target_semaphore(%run_scoped3A : memref<!tpu.dma_semaphore, #tpu.memory_space<semaphore_mem>>)
      %dma_wait3A_80 = arith.constant 0 : i32
      %dma_wait3A_81 = tpu.memref_slice %arg9[%mul3A_12, %dma_wait3A_80] : memref<10240x48xf32, #tpu.memory_space<vmem_shared>> -> memref<640x48xf32, #tpu.memory_space<vmem_shared>>
      %dma_wait3A_82 = arith.constant 0 : i32
      %dma_wait3A_83 = tpu.memref_slice %arg5[%mul3A_10, %dma_wait3A_82] : memref<10240x48xf32, #tpu.memory_space<hbm>> -> memref<640x48xf32, #tpu.memory_space<hbm>>
      tpu.wait_dma2 semaphore(%run_scoped3A : memref<!tpu.dma_semaphore, #tpu.memory_space<semaphore_mem>>) src(%dma_wait3A_83 : memref<640x48xf32, #tpu.memory_space<hbm>>) dst(%dma_wait3A_81 : memref<640x48xf32, #tpu.memory_space<vmem_shared>>)
      tpu.yield
    }) : () -> ()
    %barrier3A = arith.constant 0 : index
    tpu.barrier barrier_id(%barrier3A)
    %dma_start3A = arith.constant 0 : i32
    %dma_start3A_13 = arith.constant 0 : i32
    %dma_start3A_14 = tpu.memref_slice %arg10[%dma_start3A, %dma_start3A_13] : memref<118x128xi32, #tpu.memory_space<vmem>> -> memref<1x128xi32, #tpu.memory_space<vmem>>
    %dma_start3A_15 = tpu.memref_squeeze %dma_start3A_14 : memref<1x128xi32, #tpu.memory_space<vmem>> -> memref<128xi32, #tpu.memory_space<vmem>>
    %dma_start3A_16 = arith.constant 0 : i32
    %dma_start3A_17 = arith.constant 0 : i32
    %dma_start3A_18 = tpu.memref_slice %arg2[%dma_start3A_16, %dma_start3A_17] : memref<10240x48xf32, #tpu.memory_space<hbm>> -> memref<10240x48xf32, #tpu.memory_space<hbm>>
    tpu.enqueue_indirect_dma source(%dma_start3A_18 : memref<10240x48xf32, #tpu.memory_space<hbm>>) target(%arg12 : memref<128x48xf32, #tpu.memory_space<vmem>>) offsets(%dma_start3A_15 : memref<128xi32, #tpu.memory_space<vmem>>) semaphore(%arg14 : memref<!tpu.dma_semaphore, #tpu.memory_space<semaphore_mem>>)
    %dma_start3A_19 = arith.constant 1 : i32
    %dma_start3A_20 = arith.constant 0 : i32
    %dma_start3A_21 = tpu.memref_slice %arg10[%dma_start3A_19, %dma_start3A_20] : memref<118x128xi32, #tpu.memory_space<vmem>> -> memref<1x128xi32, #tpu.memory_space<vmem>>
    %dma_start3A_22 = tpu.memref_squeeze %dma_start3A_21 : memref<1x128xi32, #tpu.memory_space<vmem>> -> memref<128xi32, #tpu.memory_space<vmem>>
    %dma_start3A_23 = arith.constant 0 : i32
    %dma_start3A_24 = arith.constant 0 : i32
    %dma_start3A_25 = tpu.memref_slice %arg2[%dma_start3A_23, %dma_start3A_24] : memref<10240x48xf32, #tpu.memory_space<hbm>> -> memref<10240x48xf32, #tpu.memory_space<hbm>>
    tpu.enqueue_indirect_dma source(%dma_start3A_25 : memref<10240x48xf32, #tpu.memory_space<hbm>>) target(%arg13 : memref<128x48xf32, #tpu.memory_space<vmem>>) offsets(%dma_start3A_22 : memref<128xi32, #tpu.memory_space<vmem>>) semaphore(%arg15 : memref<!tpu.dma_semaphore, #tpu.memory_space<semaphore_mem>>)
    %jit3A_26 = arith.constant 2 : i32
    %div3A = arith.divsi %select_n3A, %jit3A_26 : i32
    %sign3A = arith.constant 0 : i32
    %sign3A_27 = arith.cmpi sgt, %select_n3A, %sign3A : i32
    %sign3A_28 = arith.extui %sign3A_27 : i1 to i32
    %sign3A_29 = arith.constant 0 : i32
    %sign3A_30 = arith.cmpi slt, %select_n3A, %sign3A_29 : i32
    %sign3A_31 = arith.extui %sign3A_30 : i1 to i32
    %sign3A_32 = arith.subi %sign3A_28, %sign3A_31 : i32
    %sign3A_33 = arith.constant 0 : i32
    %sign3A_34 = arith.cmpi sgt, %jit3A_26, %sign3A_33 : i32
    %sign3A_35 = arith.extui %sign3A_34 : i1 to i32
    %sign3A_36 = arith.constant 0 : i32
    %sign3A_37 = arith.cmpi slt, %jit3A_26, %sign3A_36 : i32
    %sign3A_38 = arith.extui %sign3A_37 : i1 to i32
    %sign3A_39 = arith.subi %sign3A_35, %sign3A_38 : i32
    %ne3A = arith.cmpi ne, %sign3A_32, %sign3A_39 : i32
    %rem3A = arith.remsi %select_n3A, %jit3A_26 : i32
    %ne3A_40 = arith.constant 0 : i32
    %ne3A_41 = arith.cmpi ne, %rem3A, %ne3A_40 : i32
    %and3A = arith.andi %ne3A, %ne3A_41 : i1
    %sub3A = arith.constant 1 : i32
    %sub3A_42 = arith.subi %div3A, %sub3A : i32
    %select_n3A_43 = arith.select %and3A, %sub3A_42, %div3A : i32
    %while3A = arith.constant 0 : i32
    %while3A_44 = arith.constant 0 : i32
    %while3A_45 = arith.subi %select_n3A_43, %while3A_44 : i32
    %while3A_46 = arith.addi %while3A_44, %while3A_45 : i32
    %while3A_47 = arith.constant 1 : i32
    %while3A_48 = arith.divsi %while3A_45, %while3A_47 : i32
    %while3A_49 = arith.muli %while3A_48, %while3A_47 : i32
    %while3A_50 = arith.addi %while3A_44, %while3A_49 : i32
    %while3A_51 = arith.constant 1 : i32
    scf.for %while3A_76 = %while3A_44 to %while3A_50 step %while3A_51  : i32 {
      %mul3A_77 = arith.constant 2 : i32
      %mul3A_78 = arith.muli %mul3A_77, %while3A_76 : i32
      %add3A_79 = arith.constant 0 : i32
      %add3A_80 = arith.addi %mul3A_78, %add3A_79 : i32
      %dma_wait3A_81 = arith.constant 0 : i32
      %dma_wait3A_82 = tpu.memref_slice %arg10[%add3A_80, %dma_wait3A_81] : memref<118x128xi32, #tpu.memory_space<vmem>> -> memref<1x128xi32, #tpu.memory_space<vmem>>
      %dma_wait3A_83 = tpu.memref_squeeze %dma_wait3A_82 : memref<1x128xi32, #tpu.memory_space<vmem>> -> memref<128xi32, #tpu.memory_space<vmem>>
      %dma_wait3A_84 = arith.constant 0 : i32
      %dma_wait3A_85 = arith.constant 0 : i32
      %dma_wait3A_86 = tpu.memref_slice %arg2[%dma_wait3A_84, %dma_wait3A_85] : memref<10240x48xf32, #tpu.memory_space<hbm>> -> memref<10240x48xf32, #tpu.memory_space<hbm>>
      tpu.wait_indirect_dma semaphore(%arg14 : memref<!tpu.dma_semaphore, #tpu.memory_space<semaphore_mem>>) src(%dma_wait3A_86 : memref<10240x48xf32, #tpu.memory_space<hbm>>) dst(%arg12 : memref<128x48xf32, #tpu.memory_space<vmem>>)
      %add3A_87 = arith.constant 0 : i32
      %add3A_88 = arith.addi %mul3A_78, %add3A_87 : i32
      %dma_start3A_89 = arith.constant 0 : i32
      %dma_start3A_90 = tpu.memref_slice %arg11[%add3A_88, %dma_start3A_89] : memref<118x128xi32, #tpu.memory_space<vmem>> -> memref<1x128xi32, #tpu.memory_space<vmem>>
      %dma_start3A_91 = tpu.memref_squeeze %dma_start3A_90 : memref<1x128xi32, #tpu.memory_space<vmem>> -> memref<128xi32, #tpu.memory_space<vmem>>
      %dma_start3A_92 = arith.constant 0 : i32
      %dma_start3A_93 = arith.constant 0 : i32
      %dma_start3A_94 = tpu.memref_slice %arg9[%dma_start3A_92, %dma_start3A_93] : memref<10240x48xf32, #tpu.memory_space<vmem_shared>> -> memref<10240x48xf32, #tpu.memory_space<vmem_shared>>
      tpu.enqueue_indirect_dma source(%arg12 : memref<128x48xf32, #tpu.memory_space<vmem>>) target(%dma_start3A_94 : memref<10240x48xf32, #tpu.memory_space<vmem_shared>>) offsets(%dma_start3A_91 : memref<128xi32, #tpu.memory_space<vmem>>) semaphore(%arg16 : memref<!tpu.dma_semaphore, #tpu.memory_space<semaphore_mem>>) {add = true}
      %add3A_95 = arith.constant 1 : i32
      %add3A_96 = arith.addi %mul3A_78, %add3A_95 : i32
      %dma_wait3A_97 = arith.constant 0 : i32
      %dma_wait3A_98 = tpu.memref_slice %arg10[%add3A_96, %dma_wait3A_97] : memref<118x128xi32, #tpu.memory_space<vmem>> -> memref<1x128xi32, #tpu.memory_space<vmem>>
      %dma_wait3A_99 = tpu.memref_squeeze %dma_wait3A_98 : memref<1x128xi32, #tpu.memory_space<vmem>> -> memref<128xi32, #tpu.memory_space<vmem>>
      %dma_wait3A_100 = arith.constant 0 : i32
      %dma_wait3A_101 = arith.constant 0 : i32
      %dma_wait3A_102 = tpu.memref_slice %arg2[%dma_wait3A_100, %dma_wait3A_101] : memref<10240x48xf32, #tpu.memory_space<hbm>> -> memref<10240x48xf32, #tpu.memory_space<hbm>>
      tpu.wait_indirect_dma semaphore(%arg15 : memref<!tpu.dma_semaphore, #tpu.memory_space<semaphore_mem>>) src(%dma_wait3A_102 : memref<10240x48xf32, #tpu.memory_space<hbm>>) dst(%arg13 : memref<128x48xf32, #tpu.memory_space<vmem>>)
      %add3A_103 = arith.constant 1 : i32
      %add3A_104 = arith.addi %mul3A_78, %add3A_103 : i32
      %dma_start3A_105 = arith.constant 0 : i32
      %dma_start3A_106 = tpu.memref_slice %arg11[%add3A_104, %dma_start3A_105] : memref<118x128xi32, #tpu.memory_space<vmem>> -> memref<1x128xi32, #tpu.memory_space<vmem>>
      %dma_start3A_107 = tpu.memref_squeeze %dma_start3A_106 : memref<1x128xi32, #tpu.memory_space<vmem>> -> memref<128xi32, #tpu.memory_space<vmem>>
      %dma_start3A_108 = arith.constant 0 : i32
      %dma_start3A_109 = arith.constant 0 : i32
      %dma_start3A_110 = tpu.memref_slice %arg9[%dma_start3A_108, %dma_start3A_109] : memref<10240x48xf32, #tpu.memory_space<vmem_shared>> -> memref<10240x48xf32, #tpu.memory_space<vmem_shared>>
      tpu.enqueue_indirect_dma source(%arg13 : memref<128x48xf32, #tpu.memory_space<vmem>>) target(%dma_start3A_110 : memref<10240x48xf32, #tpu.memory_space<vmem_shared>>) offsets(%dma_start3A_107 : memref<128xi32, #tpu.memory_space<vmem>>) semaphore(%arg17 : memref<!tpu.dma_semaphore, #tpu.memory_space<semaphore_mem>>) {add = true}
      %dma_wait3A_111 = arith.constant 0 : i32
      %dma_wait3A_112 = tpu.memref_slice %arg11[%add3A_88, %dma_wait3A_111] : memref<118x128xi32, #tpu.memory_space<vmem>> -> memref<1x128xi32, #tpu.memory_space<vmem>>
      %dma_wait3A_113 = tpu.memref_squeeze %dma_wait3A_112 : memref<1x128xi32, #tpu.memory_space<vmem>> -> memref<128xi32, #tpu.memory_space<vmem>>
      %dma_wait3A_114 = arith.constant 0 : i32
      %dma_wait3A_115 = arith.constant 0 : i32
      %dma_wait3A_116 = tpu.memref_slice %arg9[%dma_wait3A_114, %dma_wait3A_115] : memref<10240x48xf32, #tpu.memory_space<vmem_shared>> -> memref<10240x48xf32, #tpu.memory_space<vmem_shared>>
      tpu.wait_indirect_dma semaphore(%arg16 : memref<!tpu.dma_semaphore, #tpu.memory_space<semaphore_mem>>) src(%arg12 : memref<128x48xf32, #tpu.memory_space<vmem>>) dst(%dma_wait3A_116 : memref<10240x48xf32, #tpu.memory_space<vmem_shared>>)
      %add3A_117 = arith.constant 2 : i32
      %add3A_118 = arith.addi %mul3A_78, %add3A_117 : i32
      %add3A_119 = arith.constant 0 : i32
      %add3A_120 = arith.addi %add3A_118, %add3A_119 : i32
      %dma_start3A_121 = arith.constant 0 : i32
      %dma_start3A_122 = tpu.memref_slice %arg10[%add3A_120, %dma_start3A_121] : memref<118x128xi32, #tpu.memory_space<vmem>> -> memref<1x128xi32, #tpu.memory_space<vmem>>
      %dma_start3A_123 = tpu.memref_squeeze %dma_start3A_122 : memref<1x128xi32, #tpu.memory_space<vmem>> -> memref<128xi32, #tpu.memory_space<vmem>>
      %dma_start3A_124 = arith.constant 0 : i32
      %dma_start3A_125 = arith.constant 0 : i32
      %dma_start3A_126 = tpu.memref_slice %arg2[%dma_start3A_124, %dma_start3A_125] : memref<10240x48xf32, #tpu.memory_space<hbm>> -> memref<10240x48xf32, #tpu.memory_space<hbm>>
      tpu.enqueue_indirect_dma source(%dma_start3A_126 : memref<10240x48xf32, #tpu.memory_space<hbm>>) target(%arg12 : memref<128x48xf32, #tpu.memory_space<vmem>>) offsets(%dma_start3A_123 : memref<128xi32, #tpu.memory_space<vmem>>) semaphore(%arg14 : memref<!tpu.dma_semaphore, #tpu.memory_space<semaphore_mem>>)
      %dma_wait3A_127 = arith.constant 0 : i32
      %dma_wait3A_128 = tpu.memref_slice %arg11[%add3A_104, %dma_wait3A_127] : memref<118x128xi32, #tpu.memory_space<vmem>> -> memref<1x128xi32, #tpu.memory_space<vmem>>
      %dma_wait3A_129 = tpu.memref_squeeze %dma_wait3A_128 : memref<1x128xi32, #tpu.memory_space<vmem>> -> memref<128xi32, #tpu.memory_space<vmem>>
      %dma_wait3A_130 = arith.constant 0 : i32
      %dma_wait3A_131 = arith.constant 0 : i32
      %dma_wait3A_132 = tpu.memref_slice %arg9[%dma_wait3A_130, %dma_wait3A_131] : memref<10240x48xf32, #tpu.memory_space<vmem_shared>> -> memref<10240x48xf32, #tpu.memory_space<vmem_shared>>
      tpu.wait_indirect_dma semaphore(%arg17 : memref<!tpu.dma_semaphore, #tpu.memory_space<semaphore_mem>>) src(%arg13 : memref<128x48xf32, #tpu.memory_space<vmem>>) dst(%dma_wait3A_132 : memref<10240x48xf32, #tpu.memory_space<vmem_shared>>)
      %add3A_133 = arith.constant 2 : i32
      %add3A_134 = arith.addi %mul3A_78, %add3A_133 : i32
      %add3A_135 = arith.constant 1 : i32
      %add3A_136 = arith.addi %add3A_134, %add3A_135 : i32
      %dma_start3A_137 = arith.constant 0 : i32
      %dma_start3A_138 = tpu.memref_slice %arg10[%add3A_136, %dma_start3A_137] : memref<118x128xi32, #tpu.memory_space<vmem>> -> memref<1x128xi32, #tpu.memory_space<vmem>>
      %dma_start3A_139 = tpu.memref_squeeze %dma_start3A_138 : memref<1x128xi32, #tpu.memory_space<vmem>> -> memref<128xi32, #tpu.memory_space<vmem>>
      %dma_start3A_140 = arith.constant 0 : i32
      %dma_start3A_141 = arith.constant 0 : i32
      %dma_start3A_142 = tpu.memref_slice %arg2[%dma_start3A_140, %dma_start3A_141] : memref<10240x48xf32, #tpu.memory_space<hbm>> -> memref<10240x48xf32, #tpu.memory_space<hbm>>
      tpu.enqueue_indirect_dma source(%dma_start3A_142 : memref<10240x48xf32, #tpu.memory_space<hbm>>) target(%arg13 : memref<128x48xf32, #tpu.memory_space<vmem>>) offsets(%dma_start3A_139 : memref<128xi32, #tpu.memory_space<vmem>>) semaphore(%arg15 : memref<!tpu.dma_semaphore, #tpu.memory_space<semaphore_mem>>)
    }
    %while3A_52 = arith.constant 1 : i32
    scf.for %while3A_76 = %while3A_50 to %while3A_46 step %while3A_52  : i32 {
      %mul3A_77 = arith.constant 2 : i32
      %mul3A_78 = arith.muli %mul3A_77, %while3A_76 : i32
      %add3A_79 = arith.constant 0 : i32
      %add3A_80 = arith.addi %mul3A_78, %add3A_79 : i32
      %dma_wait3A_81 = arith.constant 0 : i32
      %dma_wait3A_82 = tpu.memref_slice %arg10[%add3A_80, %dma_wait3A_81] : memref<118x128xi32, #tpu.memory_space<vmem>> -> memref<1x128xi32, #tpu.memory_space<vmem>>
      %dma_wait3A_83 = tpu.memref_squeeze %dma_wait3A_82 : memref<1x128xi32, #tpu.memory_space<vmem>> -> memref<128xi32, #tpu.memory_space<vmem>>
      %dma_wait3A_84 = arith.constant 0 : i32
      %dma_wait3A_85 = arith.constant 0 : i32
      %dma_wait3A_86 = tpu.memref_slice %arg2[%dma_wait3A_84, %dma_wait3A_85] : memref<10240x48xf32, #tpu.memory_space<hbm>> -> memref<10240x48xf32, #tpu.memory_space<hbm>>
      tpu.wait_indirect_dma semaphore(%arg14 : memref<!tpu.dma_semaphore, #tpu.memory_space<semaphore_mem>>) src(%dma_wait3A_86 : memref<10240x48xf32, #tpu.memory_space<hbm>>) dst(%arg12 : memref<128x48xf32, #tpu.memory_space<vmem>>)
      %add3A_87 = arith.constant 0 : i32
      %add3A_88 = arith.addi %mul3A_78, %add3A_87 : i32
      %dma_start3A_89 = arith.constant 0 : i32
      %dma_start3A_90 = tpu.memref_slice %arg11[%add3A_88, %dma_start3A_89] : memref<118x128xi32, #tpu.memory_space<vmem>> -> memref<1x128xi32, #tpu.memory_space<vmem>>
      %dma_start3A_91 = tpu.memref_squeeze %dma_start3A_90 : memref<1x128xi32, #tpu.memory_space<vmem>> -> memref<128xi32, #tpu.memory_space<vmem>>
      %dma_start3A_92 = arith.constant 0 : i32
      %dma_start3A_93 = arith.constant 0 : i32
      %dma_start3A_94 = tpu.memref_slice %arg9[%dma_start3A_92, %dma_start3A_93] : memref<10240x48xf32, #tpu.memory_space<vmem_shared>> -> memref<10240x48xf32, #tpu.memory_space<vmem_shared>>
      tpu.enqueue_indirect_dma source(%arg12 : memref<128x48xf32, #tpu.memory_space<vmem>>) target(%dma_start3A_94 : memref<10240x48xf32, #tpu.memory_space<vmem_shared>>) offsets(%dma_start3A_91 : memref<128xi32, #tpu.memory_space<vmem>>) semaphore(%arg16 : memref<!tpu.dma_semaphore, #tpu.memory_space<semaphore_mem>>) {add = true}
      %add3A_95 = arith.constant 1 : i32
      %add3A_96 = arith.addi %mul3A_78, %add3A_95 : i32
      %dma_wait3A_97 = arith.constant 0 : i32
      %dma_wait3A_98 = tpu.memref_slice %arg10[%add3A_96, %dma_wait3A_97] : memref<118x128xi32, #tpu.memory_space<vmem>> -> memref<1x128xi32, #tpu.memory_space<vmem>>
      %dma_wait3A_99 = tpu.memref_squeeze %dma_wait3A_98 : memref<1x128xi32, #tpu.memory_space<vmem>> -> memref<128xi32, #tpu.memory_space<vmem>>
      %dma_wait3A_100 = arith.constant 0 : i32
      %dma_wait3A_101 = arith.constant 0 : i32
      %dma_wait3A_102 = tpu.memref_slice %arg2[%dma_wait3A_100, %dma_wait3A_101] : memref<10240x48xf32, #tpu.memory_space<hbm>> -> memref<10240x48xf32, #tpu.memory_space<hbm>>
      tpu.wait_indirect_dma semaphore(%arg15 : memref<!tpu.dma_semaphore, #tpu.memory_space<semaphore_mem>>) src(%dma_wait3A_102 : memref<10240x48xf32, #tpu.memory_space<hbm>>) dst(%arg13 : memref<128x48xf32, #tpu.memory_space<vmem>>)
      %add3A_103 = arith.constant 1 : i32
      %add3A_104 = arith.addi %mul3A_78, %add3A_103 : i32
      %dma_start3A_105 = arith.constant 0 : i32
      %dma_start3A_106 = tpu.memref_slice %arg11[%add3A_104, %dma_start3A_105] : memref<118x128xi32, #tpu.memory_space<vmem>> -> memref<1x128xi32, #tpu.memory_space<vmem>>
      %dma_start3A_107 = tpu.memref_squeeze %dma_start3A_106 : memref<1x128xi32, #tpu.memory_space<vmem>> -> memref<128xi32, #tpu.memory_space<vmem>>
      %dma_start3A_108 = arith.constant 0 : i32
      %dma_start3A_109 = arith.constant 0 : i32
      %dma_start3A_110 = tpu.memref_slice %arg9[%dma_start3A_108, %dma_start3A_109] : memref<10240x48xf32, #tpu.memory_space<vmem_shared>> -> memref<10240x48xf32, #tpu.memory_space<vmem_shared>>
      tpu.enqueue_indirect_dma source(%arg13 : memref<128x48xf32, #tpu.memory_space<vmem>>) target(%dma_start3A_110 : memref<10240x48xf32, #tpu.memory_space<vmem_shared>>) offsets(%dma_start3A_107 : memref<128xi32, #tpu.memory_space<vmem>>) semaphore(%arg17 : memref<!tpu.dma_semaphore, #tpu.memory_space<semaphore_mem>>) {add = true}
      %dma_wait3A_111 = arith.constant 0 : i32
      %dma_wait3A_112 = tpu.memref_slice %arg11[%add3A_88, %dma_wait3A_111] : memref<118x128xi32, #tpu.memory_space<vmem>> -> memref<1x128xi32, #tpu.memory_space<vmem>>
      %dma_wait3A_113 = tpu.memref_squeeze %dma_wait3A_112 : memref<1x128xi32, #tpu.memory_space<vmem>> -> memref<128xi32, #tpu.memory_space<vmem>>
      %dma_wait3A_114 = arith.constant 0 : i32
      %dma_wait3A_115 = arith.constant 0 : i32
      %dma_wait3A_116 = tpu.memref_slice %arg9[%dma_wait3A_114, %dma_wait3A_115] : memref<10240x48xf32, #tpu.memory_space<vmem_shared>> -> memref<10240x48xf32, #tpu.memory_space<vmem_shared>>
      tpu.wait_indirect_dma semaphore(%arg16 : memref<!tpu.dma_semaphore, #tpu.memory_space<semaphore_mem>>) src(%arg12 : memref<128x48xf32, #tpu.memory_space<vmem>>) dst(%dma_wait3A_116 : memref<10240x48xf32, #tpu.memory_space<vmem_shared>>)
      %add3A_117 = arith.constant 2 : i32
      %add3A_118 = arith.addi %mul3A_78, %add3A_117 : i32
      %add3A_119 = arith.constant 0 : i32
      %add3A_120 = arith.addi %add3A_118, %add3A_119 : i32
      %dma_start3A_121 = arith.constant 0 : i32
      %dma_start3A_122 = tpu.memref_slice %arg10[%add3A_120, %dma_start3A_121] : memref<118x128xi32, #tpu.memory_space<vmem>> -> memref<1x128xi32, #tpu.memory_space<vmem>>
      %dma_start3A_123 = tpu.memref_squeeze %dma_start3A_122 : memref<1x128xi32, #tpu.memory_space<vmem>> -> memref<128xi32, #tpu.memory_space<vmem>>
      %dma_start3A_124 = arith.constant 0 : i32
      %dma_start3A_125 = arith.constant 0 : i32
      %dma_start3A_126 = tpu.memref_slice %arg2[%dma_start3A_124, %dma_start3A_125] : memref<10240x48xf32, #tpu.memory_space<hbm>> -> memref<10240x48xf32, #tpu.memory_space<hbm>>
      tpu.enqueue_indirect_dma source(%dma_start3A_126 : memref<10240x48xf32, #tpu.memory_space<hbm>>) target(%arg12 : memref<128x48xf32, #tpu.memory_space<vmem>>) offsets(%dma_start3A_123 : memref<128xi32, #tpu.memory_space<vmem>>) semaphore(%arg14 : memref<!tpu.dma_semaphore, #tpu.memory_space<semaphore_mem>>)
      %dma_wait3A_127 = arith.constant 0 : i32
      %dma_wait3A_128 = tpu.memref_slice %arg11[%add3A_104, %dma_wait3A_127] : memref<118x128xi32, #tpu.memory_space<vmem>> -> memref<1x128xi32, #tpu.memory_space<vmem>>
      %dma_wait3A_129 = tpu.memref_squeeze %dma_wait3A_128 : memref<1x128xi32, #tpu.memory_space<vmem>> -> memref<128xi32, #tpu.memory_space<vmem>>
      %dma_wait3A_130 = arith.constant 0 : i32
      %dma_wait3A_131 = arith.constant 0 : i32
      %dma_wait3A_132 = tpu.memref_slice %arg9[%dma_wait3A_130, %dma_wait3A_131] : memref<10240x48xf32, #tpu.memory_space<vmem_shared>> -> memref<10240x48xf32, #tpu.memory_space<vmem_shared>>
      tpu.wait_indirect_dma semaphore(%arg17 : memref<!tpu.dma_semaphore, #tpu.memory_space<semaphore_mem>>) src(%arg13 : memref<128x48xf32, #tpu.memory_space<vmem>>) dst(%dma_wait3A_132 : memref<10240x48xf32, #tpu.memory_space<vmem_shared>>)
      %add3A_133 = arith.constant 2 : i32
      %add3A_134 = arith.addi %mul3A_78, %add3A_133 : i32
      %add3A_135 = arith.constant 1 : i32
      %add3A_136 = arith.addi %add3A_134, %add3A_135 : i32
      %dma_start3A_137 = arith.constant 0 : i32
      %dma_start3A_138 = tpu.memref_slice %arg10[%add3A_136, %dma_start3A_137] : memref<118x128xi32, #tpu.memory_space<vmem>> -> memref<1x128xi32, #tpu.memory_space<vmem>>
      %dma_start3A_139 = tpu.memref_squeeze %dma_start3A_138 : memref<1x128xi32, #tpu.memory_space<vmem>> -> memref<128xi32, #tpu.memory_space<vmem>>
      %dma_start3A_140 = arith.constant 0 : i32
      %dma_start3A_141 = arith.constant 0 : i32
      %dma_start3A_142 = tpu.memref_slice %arg2[%dma_start3A_140, %dma_start3A_141] : memref<10240x48xf32, #tpu.memory_space<hbm>> -> memref<10240x48xf32, #tpu.memory_space<hbm>>
      tpu.enqueue_indirect_dma source(%dma_start3A_142 : memref<10240x48xf32, #tpu.memory_space<hbm>>) target(%arg13 : memref<128x48xf32, #tpu.memory_space<vmem>>) offsets(%dma_start3A_139 : memref<128xi32, #tpu.memory_space<vmem>>) semaphore(%arg15 : memref<!tpu.dma_semaphore, #tpu.memory_space<semaphore_mem>>)
    }
    %add3A_53 = arith.constant 0 : i32
    %add3A_54 = arith.addi %select_n3A, %add3A_53 : i32
    %dma_wait3A = arith.constant 0 : i32
    %dma_wait3A_55 = tpu.memref_slice %arg10[%add3A_54, %dma_wait3A] : memref<118x128xi32, #tpu.memory_space<vmem>> -> memref<1x128xi32, #tpu.memory_space<vmem>>
    %dma_wait3A_56 = tpu.memref_squeeze %dma_wait3A_55 : memref<1x128xi32, #tpu.memory_space<vmem>> -> memref<128xi32, #tpu.memory_space<vmem>>
    %dma_wait3A_57 = arith.constant 0 : i32
    %dma_wait3A_58 = arith.constant 0 : i32
    %dma_wait3A_59 = tpu.memref_slice %arg2[%dma_wait3A_57, %dma_wait3A_58] : memref<10240x48xf32, #tpu.memory_space<hbm>> -> memref<10240x48xf32, #tpu.memory_space<hbm>>
    tpu.wait_indirect_dma semaphore(%arg14 : memref<!tpu.dma_semaphore, #tpu.memory_space<semaphore_mem>>) src(%dma_wait3A_59 : memref<10240x48xf32, #tpu.memory_space<hbm>>) dst(%arg12 : memref<128x48xf32, #tpu.memory_space<vmem>>)
    %add3A_60 = arith.constant 1 : i32
    %add3A_61 = arith.addi %select_n3A, %add3A_60 : i32
    %dma_wait3A_62 = arith.constant 0 : i32
    %dma_wait3A_63 = tpu.memref_slice %arg10[%add3A_61, %dma_wait3A_62] : memref<118x128xi32, #tpu.memory_space<vmem>> -> memref<1x128xi32, #tpu.memory_space<vmem>>
    %dma_wait3A_64 = tpu.memref_squeeze %dma_wait3A_63 : memref<1x128xi32, #tpu.memory_space<vmem>> -> memref<128xi32, #tpu.memory_space<vmem>>
    %dma_wait3A_65 = arith.constant 0 : i32
    %dma_wait3A_66 = arith.constant 0 : i32
    %dma_wait3A_67 = tpu.memref_slice %arg2[%dma_wait3A_65, %dma_wait3A_66] : memref<10240x48xf32, #tpu.memory_space<hbm>> -> memref<10240x48xf32, #tpu.memory_space<hbm>>
    tpu.wait_indirect_dma semaphore(%arg15 : memref<!tpu.dma_semaphore, #tpu.memory_space<semaphore_mem>>) src(%dma_wait3A_67 : memref<10240x48xf32, #tpu.memory_space<hbm>>) dst(%arg13 : memref<128x48xf32, #tpu.memory_space<vmem>>)
    %barrier3A_68 = arith.constant 0 : index
    tpu.barrier barrier_id(%barrier3A_68)
    %mul3A_69 = arith.constant 10240 : i32
    %mul3A_70 = arith.muli %arg0, %mul3A_69 : i32
    %mul3A_71 = arith.constant 640 : i32
    %mul3A_72 = arith.muli %arg1, %mul3A_71 : i32
    %add3A_73 = arith.addi %mul3A_70, %mul3A_72 : i32
    %mul3A_74 = arith.constant 640 : i32
    %mul3A_75 = arith.muli %arg1, %mul3A_74 : i32
    "tpu.region"() ({
      %run_scoped3A = tpu.sem_alloc : memref<!tpu.dma_semaphore, #tpu.memory_space<semaphore_mem>>
      %dma_start3A_76 = arith.constant 0 : i32
      %dma_start3A_77 = tpu.memref_slice %arg8[%add3A_73, %dma_start3A_76] : memref<20480x48xf32, #tpu.memory_space<hbm>> -> memref<640x48xf32, #tpu.memory_space<hbm>>
      %dma_start3A_78 = arith.constant 0 : i32
      %dma_start3A_79 = tpu.memref_slice %arg9[%mul3A_75, %dma_start3A_78] : memref<10240x48xf32, #tpu.memory_space<vmem_shared>> -> memref<640x48xf32, #tpu.memory_space<vmem_shared>>
      tpu.enqueue_dma source(%dma_start3A_79 : memref<640x48xf32, #tpu.memory_space<vmem_shared>>) target(%dma_start3A_77 : memref<640x48xf32, #tpu.memory_space<hbm>>) target_semaphore(%run_scoped3A : memref<!tpu.dma_semaphore, #tpu.memory_space<semaphore_mem>>)
      %dma_wait3A_80 = arith.constant 0 : i32
      %dma_wait3A_81 = tpu.memref_slice %arg8[%add3A_73, %dma_wait3A_80] : memref<20480x48xf32, #tpu.memory_space<hbm>> -> memref<640x48xf32, #tpu.memory_space<hbm>>
      %dma_wait3A_82 = arith.constant 0 : i32
      %dma_wait3A_83 = tpu.memref_slice %arg9[%mul3A_75, %dma_wait3A_82] : memref<10240x48xf32, #tpu.memory_space<vmem_shared>> -> memref<640x48xf32, #tpu.memory_space<vmem_shared>>
      tpu.wait_dma2 semaphore(%run_scoped3A : memref<!tpu.dma_semaphore, #tpu.memory_space<semaphore_mem>>) src(%dma_wait3A_83 : memref<640x48xf32, #tpu.memory_space<vmem_shared>>) dst(%dma_wait3A_81 : memref<640x48xf32, #tpu.memory_space<hbm>>)
      tpu.yield
    }) : () -> ()
    return
  }
}

#map = affine_map<(d0, d1) -> (0, 0)>
module attributes {stable_mosaic.version = 14 : i64} {
  func.func @body(%arg0: i32, %arg1: i32, %arg2: memref<10240x128xbf16, #tpu.memory_space<hbm>>, %arg3: memref<5762x56xi32, #tpu.memory_space<hbm>>, %arg4: memref<5762x56xi32, #tpu.memory_space<hbm>>, %arg5: memref<10240x128xf32, #tpu.memory_space<hbm>>, %arg6: memref<10240x16xi16, #tpu.memory_space<hbm>>, %arg7: memref<56x16xi16, #tpu.memory_space<hbm>>, %arg8: memref<20480x128xf32, #tpu.memory_space<hbm>>, %arg9: memref<20480x16xi16, #tpu.memory_space<hbm>>, %arg10: memref<10240x128xf32, #tpu.memory_space<vmem_shared>>, %arg11: memref<182x56xi32, #tpu.memory_space<vmem>>, %arg12: memref<182x56xi32, #tpu.memory_space<vmem>>, %arg13: memref<56x128xbf16, #tpu.memory_space<vmem>>, %arg14: memref<56x128xbf16, #tpu.memory_space<vmem>>, %arg15: memref<56x128xf32, #tpu.memory_space<vmem>>, %arg16: memref<56x128xf32, #tpu.memory_space<vmem>>, %arg17: memref<!tpu.dma_semaphore, #tpu.memory_space<semaphore_mem>>, %arg18: memref<!tpu.dma_semaphore, #tpu.memory_space<semaphore_mem>>, %arg19: memref<!tpu.dma_semaphore, #tpu.memory_space<semaphore_mem>>, %arg20: memref<!tpu.dma_semaphore, #tpu.memory_space<semaphore_mem>>, %arg21: memref<10240x16xi16, #tpu.memory_space<vmem_shared>>, %arg22: memref<56x16xi16, #tpu.memory_space<vmem>>) attributes {dimension_semantics = [#tpu.dimension_semantics<core_parallel>, #tpu.dimension_semantics<subcore_parallel>], iteration_bounds = array<i64: 2, 16>, scalar_prefetch = 0 : i64, scratch_operands = 13 : i64, tpu.core_type = #tpu.core_type<sc_vector_subcore>, window_params = [{transform_indices = #map}, {transform_indices = #map}, {transform_indices = #map}, {transform_indices = #map}, {transform_indices = #map}, {transform_indices = #map}, {transform_indices = #map}, {transform_indices = #map}]} {
    %eq3A = arith.constant 0 : i32
    %eq3A_0 = arith.cmpi eq, %arg0, %eq3A : i32
    %jit3A = arith.constant 180 : i32
    %jit3A_1 = arith.constant 180 : i32
    %select_n3A = arith.select %eq3A_0, %jit3A, %jit3A_1 : i32
    %eq3A_2 = arith.constant 0 : i32
    %eq3A_3 = arith.cmpi eq, %arg0, %eq3A_2 : i32
    %mul3A = arith.constant 180 : i32
    %mul3A_4 = arith.muli %arg1, %mul3A : i32
    %mul3A_5 = arith.constant 180 : i32
    %mul3A_6 = arith.muli %arg1, %mul3A_5 : i32
    %add3A = arith.constant 2880 : i32
    %add3A_7 = arith.addi %add3A, %mul3A_6 : i32
    %select_n3A_8 = arith.select %eq3A_3, %mul3A_4, %add3A_7 : i32
    "tpu.region"() ({
      %run_scoped3A = tpu.sem_alloc : memref<!tpu.dma_semaphore, #tpu.memory_space<semaphore_mem>>
      %dma_start3A_82 = arith.constant 0 : i32
      %dma_start3A_83 = tpu.memref_slice %arg3[%select_n3A_8, %dma_start3A_82] : memref<5762x56xi32, #tpu.memory_space<hbm>> -> memref<182x56xi32, #tpu.memory_space<hbm>>
      %dma_start3A_84 = arith.constant 0 : i32
      %dma_start3A_85 = tpu.memref_slice %arg3[%select_n3A_8, %dma_start3A_84] : memref<5762x56xi32, #tpu.memory_space<hbm>> -> memref<182x56xi32, #tpu.memory_space<hbm>>
      tpu.enqueue_dma source(%dma_start3A_85 : memref<182x56xi32, #tpu.memory_space<hbm>>) target(%arg11 : memref<182x56xi32, #tpu.memory_space<vmem>>) target_semaphore(%run_scoped3A : memref<!tpu.dma_semaphore, #tpu.memory_space<semaphore_mem>>)
      %dma_wait3A_86 = arith.constant 0 : i32
      %dma_wait3A_87 = tpu.memref_slice %arg3[%select_n3A_8, %dma_wait3A_86] : memref<5762x56xi32, #tpu.memory_space<hbm>> -> memref<182x56xi32, #tpu.memory_space<hbm>>
      %dma_wait3A_88 = arith.constant 0 : i32
      %dma_wait3A_89 = tpu.memref_slice %arg3[%select_n3A_8, %dma_wait3A_88] : memref<5762x56xi32, #tpu.memory_space<hbm>> -> memref<182x56xi32, #tpu.memory_space<hbm>>
      tpu.wait_dma2 semaphore(%run_scoped3A : memref<!tpu.dma_semaphore, #tpu.memory_space<semaphore_mem>>) src(%dma_wait3A_89 : memref<182x56xi32, #tpu.memory_space<hbm>>) dst(%arg11 : memref<182x56xi32, #tpu.memory_space<vmem>>)
      tpu.yield
    }) : () -> ()
    "tpu.region"() ({
      %run_scoped3A = tpu.sem_alloc : memref<!tpu.dma_semaphore, #tpu.memory_space<semaphore_mem>>
      %dma_start3A_82 = arith.constant 0 : i32
      %dma_start3A_83 = tpu.memref_slice %arg4[%select_n3A_8, %dma_start3A_82] : memref<5762x56xi32, #tpu.memory_space<hbm>> -> memref<182x56xi32, #tpu.memory_space<hbm>>
      %dma_start3A_84 = arith.constant 0 : i32
      %dma_start3A_85 = tpu.memref_slice %arg4[%select_n3A_8, %dma_start3A_84] : memref<5762x56xi32, #tpu.memory_space<hbm>> -> memref<182x56xi32, #tpu.memory_space<hbm>>
      tpu.enqueue_dma source(%dma_start3A_85 : memref<182x56xi32, #tpu.memory_space<hbm>>) target(%arg12 : memref<182x56xi32, #tpu.memory_space<vmem>>) target_semaphore(%run_scoped3A : memref<!tpu.dma_semaphore, #tpu.memory_space<semaphore_mem>>)
      %dma_wait3A_86 = arith.constant 0 : i32
      %dma_wait3A_87 = tpu.memref_slice %arg4[%select_n3A_8, %dma_wait3A_86] : memref<5762x56xi32, #tpu.memory_space<hbm>> -> memref<182x56xi32, #tpu.memory_space<hbm>>
      %dma_wait3A_88 = arith.constant 0 : i32
      %dma_wait3A_89 = tpu.memref_slice %arg4[%select_n3A_8, %dma_wait3A_88] : memref<5762x56xi32, #tpu.memory_space<hbm>> -> memref<182x56xi32, #tpu.memory_space<hbm>>
      tpu.wait_dma2 semaphore(%run_scoped3A : memref<!tpu.dma_semaphore, #tpu.memory_space<semaphore_mem>>) src(%dma_wait3A_89 : memref<182x56xi32, #tpu.memory_space<hbm>>) dst(%arg12 : memref<182x56xi32, #tpu.memory_space<vmem>>)
      tpu.yield
    }) : () -> ()
    %mul3A_9 = arith.constant 640 : i32
    %mul3A_10 = arith.muli %arg1, %mul3A_9 : i32
    %mul3A_11 = arith.constant 640 : i32
    %mul3A_12 = arith.muli %arg1, %mul3A_11 : i32
    "tpu.region"() ({
      %run_scoped3A = tpu.sem_alloc : memref<!tpu.dma_semaphore, #tpu.memory_space<semaphore_mem>>
      %dma_start3A_82 = arith.constant 0 : i32
      %dma_start3A_83 = tpu.memref_slice %arg10[%mul3A_12, %dma_start3A_82] : memref<10240x128xf32, #tpu.memory_space<vmem_shared>> -> memref<640x128xf32, #tpu.memory_space<vmem_shared>>
      %dma_start3A_84 = arith.constant 0 : i32
      %dma_start3A_85 = tpu.memref_slice %arg5[%mul3A_10, %dma_start3A_84] : memref<10240x128xf32, #tpu.memory_space<hbm>> -> memref<640x128xf32, #tpu.memory_space<hbm>>
      tpu.enqueue_dma source(%dma_start3A_85 : memref<640x128xf32, #tpu.memory_space<hbm>>) target(%dma_start3A_83 : memref<640x128xf32, #tpu.memory_space<vmem_shared>>) target_semaphore(%run_scoped3A : memref<!tpu.dma_semaphore, #tpu.memory_space<semaphore_mem>>)
      %dma_wait3A_86 = arith.constant 0 : i32
      %dma_wait3A_87 = tpu.memref_slice %arg10[%mul3A_12, %dma_wait3A_86] : memref<10240x128xf32, #tpu.memory_space<vmem_shared>> -> memref<640x128xf32, #tpu.memory_space<vmem_shared>>
      %dma_wait3A_88 = arith.constant 0 : i32
      %dma_wait3A_89 = tpu.memref_slice %arg5[%mul3A_10, %dma_wait3A_88] : memref<10240x128xf32, #tpu.memory_space<hbm>> -> memref<640x128xf32, #tpu.memory_space<hbm>>
      tpu.wait_dma2 semaphore(%run_scoped3A : memref<!tpu.dma_semaphore, #tpu.memory_space<semaphore_mem>>) src(%dma_wait3A_89 : memref<640x128xf32, #tpu.memory_space<hbm>>) dst(%dma_wait3A_87 : memref<640x128xf32, #tpu.memory_space<vmem_shared>>)
      tpu.yield
    }) : () -> ()
    %mul3A_13 = arith.constant 640 : i32
    %mul3A_14 = arith.muli %arg1, %mul3A_13 : i32
    %mul3A_15 = arith.constant 640 : i32
    %mul3A_16 = arith.muli %arg1, %mul3A_15 : i32
    "tpu.region"() ({
      %run_scoped3A = tpu.sem_alloc : memref<!tpu.dma_semaphore, #tpu.memory_space<semaphore_mem>>
      %dma_start3A_82 = arith.constant 0 : i32
      %dma_start3A_83 = tpu.memref_slice %arg21[%mul3A_16, %dma_start3A_82] : memref<10240x16xi16, #tpu.memory_space<vmem_shared>> -> memref<640x16xi16, #tpu.memory_space<vmem_shared>>
      %dma_start3A_84 = arith.constant 0 : i32
      %dma_start3A_85 = tpu.memref_slice %arg6[%mul3A_14, %dma_start3A_84] : memref<10240x16xi16, #tpu.memory_space<hbm>> -> memref<640x16xi16, #tpu.memory_space<hbm>>
      tpu.enqueue_dma source(%dma_start3A_85 : memref<640x16xi16, #tpu.memory_space<hbm>>) target(%dma_start3A_83 : memref<640x16xi16, #tpu.memory_space<vmem_shared>>) target_semaphore(%run_scoped3A : memref<!tpu.dma_semaphore, #tpu.memory_space<semaphore_mem>>)
      %dma_wait3A_86 = arith.constant 0 : i32
      %dma_wait3A_87 = tpu.memref_slice %arg21[%mul3A_16, %dma_wait3A_86] : memref<10240x16xi16, #tpu.memory_space<vmem_shared>> -> memref<640x16xi16, #tpu.memory_space<vmem_shared>>
      %dma_wait3A_88 = arith.constant 0 : i32
      %dma_wait3A_89 = tpu.memref_slice %arg6[%mul3A_14, %dma_wait3A_88] : memref<10240x16xi16, #tpu.memory_space<hbm>> -> memref<640x16xi16, #tpu.memory_space<hbm>>
      tpu.wait_dma2 semaphore(%run_scoped3A : memref<!tpu.dma_semaphore, #tpu.memory_space<semaphore_mem>>) src(%dma_wait3A_89 : memref<640x16xi16, #tpu.memory_space<hbm>>) dst(%dma_wait3A_87 : memref<640x16xi16, #tpu.memory_space<vmem_shared>>)
      tpu.yield
    }) : () -> ()
    "tpu.region"() ({
      %run_scoped3A = tpu.sem_alloc : memref<!tpu.dma_semaphore, #tpu.memory_space<semaphore_mem>>
      tpu.enqueue_dma source(%arg7 : memref<56x16xi16, #tpu.memory_space<hbm>>) target(%arg22 : memref<56x16xi16, #tpu.memory_space<vmem>>) target_semaphore(%run_scoped3A : memref<!tpu.dma_semaphore, #tpu.memory_space<semaphore_mem>>)
      tpu.wait_dma2 semaphore(%run_scoped3A : memref<!tpu.dma_semaphore, #tpu.memory_space<semaphore_mem>>) src(%arg7 : memref<56x16xi16, #tpu.memory_space<hbm>>) dst(%arg22 : memref<56x16xi16, #tpu.memory_space<vmem>>)
      tpu.yield
    }) : () -> ()
    %barrier3A = arith.constant 0 : index
    tpu.barrier barrier_id(%barrier3A)
    %dma_start3A = arith.constant 0 : i32
    %dma_start3A_17 = arith.constant 0 : i32
    %dma_start3A_18 = tpu.memref_slice %arg11[%dma_start3A, %dma_start3A_17] : memref<182x56xi32, #tpu.memory_space<vmem>> -> memref<1x56xi32, #tpu.memory_space<vmem>>
    %dma_start3A_19 = tpu.memref_squeeze %dma_start3A_18 : memref<1x56xi32, #tpu.memory_space<vmem>> -> memref<56xi32, #tpu.memory_space<vmem>>
    %dma_start3A_20 = arith.constant 0 : i32
    %dma_start3A_21 = arith.constant 0 : i32
    %dma_start3A_22 = tpu.memref_slice %arg2[%dma_start3A_20, %dma_start3A_21] : memref<10240x128xbf16, #tpu.memory_space<hbm>> -> memref<10240x128xbf16, #tpu.memory_space<hbm>>
    tpu.enqueue_indirect_dma source(%dma_start3A_22 : memref<10240x128xbf16, #tpu.memory_space<hbm>>) target(%arg13 : memref<56x128xbf16, #tpu.memory_space<vmem>>) offsets(%dma_start3A_19 : memref<56xi32, #tpu.memory_space<vmem>>) semaphore(%arg17 : memref<!tpu.dma_semaphore, #tpu.memory_space<semaphore_mem>>)
    %dma_start3A_23 = arith.constant 1 : i32
    %dma_start3A_24 = arith.constant 0 : i32
    %dma_start3A_25 = tpu.memref_slice %arg11[%dma_start3A_23, %dma_start3A_24] : memref<182x56xi32, #tpu.memory_space<vmem>> -> memref<1x56xi32, #tpu.memory_space<vmem>>
    %dma_start3A_26 = tpu.memref_squeeze %dma_start3A_25 : memref<1x56xi32, #tpu.memory_space<vmem>> -> memref<56xi32, #tpu.memory_space<vmem>>
    %dma_start3A_27 = arith.constant 0 : i32
    %dma_start3A_28 = arith.constant 0 : i32
    %dma_start3A_29 = tpu.memref_slice %arg2[%dma_start3A_27, %dma_start3A_28] : memref<10240x128xbf16, #tpu.memory_space<hbm>> -> memref<10240x128xbf16, #tpu.memory_space<hbm>>
    tpu.enqueue_indirect_dma source(%dma_start3A_29 : memref<10240x128xbf16, #tpu.memory_space<hbm>>) target(%arg14 : memref<56x128xbf16, #tpu.memory_space<vmem>>) offsets(%dma_start3A_26 : memref<56xi32, #tpu.memory_space<vmem>>) semaphore(%arg18 : memref<!tpu.dma_semaphore, #tpu.memory_space<semaphore_mem>>)
    %jit3A_30 = arith.constant 2 : i32
    %div3A = arith.divsi %select_n3A, %jit3A_30 : i32
    %sign3A = arith.constant 0 : i32
    %sign3A_31 = arith.cmpi sgt, %select_n3A, %sign3A : i32
    %sign3A_32 = arith.extui %sign3A_31 : i1 to i32
    %sign3A_33 = arith.constant 0 : i32
    %sign3A_34 = arith.cmpi slt, %select_n3A, %sign3A_33 : i32
    %sign3A_35 = arith.extui %sign3A_34 : i1 to i32
    %sign3A_36 = arith.subi %sign3A_32, %sign3A_35 : i32
    %sign3A_37 = arith.constant 0 : i32
    %sign3A_38 = arith.cmpi sgt, %jit3A_30, %sign3A_37 : i32
    %sign3A_39 = arith.extui %sign3A_38 : i1 to i32
    %sign3A_40 = arith.constant 0 : i32
    %sign3A_41 = arith.cmpi slt, %jit3A_30, %sign3A_40 : i32
    %sign3A_42 = arith.extui %sign3A_41 : i1 to i32
    %sign3A_43 = arith.subi %sign3A_39, %sign3A_42 : i32
    %ne3A = arith.cmpi ne, %sign3A_36, %sign3A_43 : i32
    %rem3A = arith.remsi %select_n3A, %jit3A_30 : i32
    %ne3A_44 = arith.constant 0 : i32
    %ne3A_45 = arith.cmpi ne, %rem3A, %ne3A_44 : i32
    %and3A = arith.andi %ne3A, %ne3A_45 : i1
    %sub3A = arith.constant 1 : i32
    %sub3A_46 = arith.subi %div3A, %sub3A : i32
    %select_n3A_47 = arith.select %and3A, %sub3A_46, %div3A : i32
    %while3A = arith.constant 0 : i32
    %while3A_48 = arith.constant 0 : i32
    %while3A_49 = arith.subi %select_n3A_47, %while3A_48 : i32
    %while3A_50 = arith.addi %while3A_48, %while3A_49 : i32
    %while3A_51 = arith.constant 1 : i32
    %while3A_52 = arith.divsi %while3A_49, %while3A_51 : i32
    %while3A_53 = arith.muli %while3A_52, %while3A_51 : i32
    %while3A_54 = arith.addi %while3A_48, %while3A_53 : i32
    %while3A_55 = arith.constant 1 : i32
    scf.for %while3A_82 = %while3A_48 to %while3A_54 step %while3A_55  : i32 {
      %mul3A_83 = arith.constant 2 : i32
      %mul3A_84 = arith.muli %mul3A_83, %while3A_82 : i32
      %add3A_85 = arith.constant 0 : i32
      %add3A_86 = arith.addi %mul3A_84, %add3A_85 : i32
      %dma_wait3A_87 = arith.constant 0 : i32
      %dma_wait3A_88 = tpu.memref_slice %arg11[%add3A_86, %dma_wait3A_87] : memref<182x56xi32, #tpu.memory_space<vmem>> -> memref<1x56xi32, #tpu.memory_space<vmem>>
      %dma_wait3A_89 = tpu.memref_squeeze %dma_wait3A_88 : memref<1x56xi32, #tpu.memory_space<vmem>> -> memref<56xi32, #tpu.memory_space<vmem>>
      %dma_wait3A_90 = arith.constant 0 : i32
      %dma_wait3A_91 = arith.constant 0 : i32
      %dma_wait3A_92 = tpu.memref_slice %arg2[%dma_wait3A_90, %dma_wait3A_91] : memref<10240x128xbf16, #tpu.memory_space<hbm>> -> memref<10240x128xbf16, #tpu.memory_space<hbm>>
      tpu.wait_indirect_dma semaphore(%arg17 : memref<!tpu.dma_semaphore, #tpu.memory_space<semaphore_mem>>) src(%dma_wait3A_92 : memref<10240x128xbf16, #tpu.memory_space<hbm>>) dst(%arg13 : memref<56x128xbf16, #tpu.memory_space<vmem>>)
      %scan3A = arith.constant 0 : i32
      %scan3A_93 = arith.constant 0 : i32
      %scan3A_94 = arith.constant 56 : i32
      %scan3A_95 = arith.addi %scan3A_93, %scan3A_94 : i32
      %scan3A_96 = arith.constant 1 : i32
      scf.for %scan3A_188 = %scan3A_93 to %scan3A_95 step %scan3A_96  : i32 {
        %get3A = arith.index_cast %scan3A_188 : i32 to index
        %get3A_189 = arith.constant 0 : index
        %get3A_190 = tpu.vector_load %arg13[%get3A, %get3A_189] {strides = array<i32>} : memref<56x128xbf16, #tpu.memory_space<vmem>>, vector<32xbf16>,
        %unpack3A = tpu.unpack_subelements %get3A_190, 0 {pack_format = #tpu.pack_format<interleaved>} : vector<32xbf16> -> vector<16xf32>
        %unpack3A_191 = tpu.unpack_subelements %get3A_190, 1 {pack_format = #tpu.pack_format<interleaved>} : vector<32xbf16> -> vector<16xf32>
        %swap3A = arith.index_cast %scan3A_188 : i32 to index
        %swap3A_192 = arith.constant 0 : index
        %swap3A_193 = tpu.vector_load %arg15[%swap3A, %swap3A_192] {strides = array<i32>} : memref<56x128xf32, #tpu.memory_space<vmem>>, vector<16xf32>,
        tpu.vector_store %arg15[%swap3A, %swap3A_192], %unpack3A {strides = array<i32>} : memref<56x128xf32, #tpu.memory_space<vmem>>, vector<16xf32>,
        %swap3A_194 = arith.index_cast %scan3A_188 : i32 to index
        %swap3A_195 = arith.constant 16 : index
        %swap3A_196 = tpu.vector_load %arg15[%swap3A_194, %swap3A_195] {strides = array<i32>} : memref<56x128xf32, #tpu.memory_space<vmem>>, vector<16xf32>,
        tpu.vector_store %arg15[%swap3A_194, %swap3A_195], %unpack3A_191 {strides = array<i32>} : memref<56x128xf32, #tpu.memory_space<vmem>>, vector<16xf32>,
        %get3A_197 = arith.index_cast %scan3A_188 : i32 to index
        %get3A_198 = arith.constant 32 : index
        %get3A_199 = tpu.vector_load %arg13[%get3A_197, %get3A_198] {strides = array<i32>} : memref<56x128xbf16, #tpu.memory_space<vmem>>, vector<32xbf16>,
        %unpack3A_200 = tpu.unpack_subelements %get3A_199, 0 {pack_format = #tpu.pack_format<interleaved>} : vector<32xbf16> -> vector<16xf32>
        %unpack3A_201 = tpu.unpack_subelements %get3A_199, 1 {pack_format = #tpu.pack_format<interleaved>} : vector<32xbf16> -> vector<16xf32>
        %swap3A_202 = arith.index_cast %scan3A_188 : i32 to index
        %swap3A_203 = arith.constant 32 : index
        %swap3A_204 = tpu.vector_load %arg15[%swap3A_202, %swap3A_203] {strides = array<i32>} : memref<56x128xf32, #tpu.memory_space<vmem>>, vector<16xf32>,
        tpu.vector_store %arg15[%swap3A_202, %swap3A_203], %unpack3A_200 {strides = array<i32>} : memref<56x128xf32, #tpu.memory_space<vmem>>, vector<16xf32>,
        %swap3A_205 = arith.index_cast %scan3A_188 : i32 to index
        %swap3A_206 = arith.constant 48 : index
        %swap3A_207 = tpu.vector_load %arg15[%swap3A_205, %swap3A_206] {strides = array<i32>} : memref<56x128xf32, #tpu.memory_space<vmem>>, vector<16xf32>,
        tpu.vector_store %arg15[%swap3A_205, %swap3A_206], %unpack3A_201 {strides = array<i32>} : memref<56x128xf32, #tpu.memory_space<vmem>>, vector<16xf32>,
        %get3A_208 = arith.index_cast %scan3A_188 : i32 to index
        %get3A_209 = arith.constant 64 : index
        %get3A_210 = tpu.vector_load %arg13[%get3A_208, %get3A_209] {strides = array<i32>} : memref<56x128xbf16, #tpu.memory_space<vmem>>, vector<32xbf16>,
        %unpack3A_211 = tpu.unpack_subelements %get3A_210, 0 {pack_format = #tpu.pack_format<interleaved>} : vector<32xbf16> -> vector<16xf32>
        %unpack3A_212 = tpu.unpack_subelements %get3A_210, 1 {pack_format = #tpu.pack_format<interleaved>} : vector<32xbf16> -> vector<16xf32>
        %swap3A_213 = arith.index_cast %scan3A_188 : i32 to index
        %swap3A_214 = arith.constant 64 : index
        %swap3A_215 = tpu.vector_load %arg15[%swap3A_213, %swap3A_214] {strides = array<i32>} : memref<56x128xf32, #tpu.memory_space<vmem>>, vector<16xf32>,
        tpu.vector_store %arg15[%swap3A_213, %swap3A_214], %unpack3A_211 {strides = array<i32>} : memref<56x128xf32, #tpu.memory_space<vmem>>, vector<16xf32>,
        %swap3A_216 = arith.index_cast %scan3A_188 : i32 to index
        %swap3A_217 = arith.constant 80 : index
        %swap3A_218 = tpu.vector_load %arg15[%swap3A_216, %swap3A_217] {strides = array<i32>} : memref<56x128xf32, #tpu.memory_space<vmem>>, vector<16xf32>,
        tpu.vector_store %arg15[%swap3A_216, %swap3A_217], %unpack3A_212 {strides = array<i32>} : memref<56x128xf32, #tpu.memory_space<vmem>>, vector<16xf32>,
        %get3A_219 = arith.index_cast %scan3A_188 : i32 to index
        %get3A_220 = arith.constant 96 : index
        %get3A_221 = tpu.vector_load %arg13[%get3A_219, %get3A_220] {strides = array<i32>} : memref<56x128xbf16, #tpu.memory_space<vmem>>, vector<32xbf16>,
        %unpack3A_222 = tpu.unpack_subelements %get3A_221, 0 {pack_format = #tpu.pack_format<interleaved>} : vector<32xbf16> -> vector<16xf32>
        %unpack3A_223 = tpu.unpack_subelements %get3A_221, 1 {pack_format = #tpu.pack_format<interleaved>} : vector<32xbf16> -> vector<16xf32>
        %swap3A_224 = arith.index_cast %scan3A_188 : i32 to index
        %swap3A_225 = arith.constant 96 : index
        %swap3A_226 = tpu.vector_load %arg15[%swap3A_224, %swap3A_225] {strides = array<i32>} : memref<56x128xf32, #tpu.memory_space<vmem>>, vector<16xf32>,
        tpu.vector_store %arg15[%swap3A_224, %swap3A_225], %unpack3A_222 {strides = array<i32>} : memref<56x128xf32, #tpu.memory_space<vmem>>, vector<16xf32>,
        %swap3A_227 = arith.index_cast %scan3A_188 : i32 to index
        %swap3A_228 = arith.constant 112 : index
        %swap3A_229 = tpu.vector_load %arg15[%swap3A_227, %swap3A_228] {strides = array<i32>} : memref<56x128xf32, #tpu.memory_space<vmem>>, vector<16xf32>,
        tpu.vector_store %arg15[%swap3A_227, %swap3A_228], %unpack3A_223 {strides = array<i32>} : memref<56x128xf32, #tpu.memory_space<vmem>>, vector<16xf32>,
      }
      %scan3A_97 = arith.constant 56 : i32
      %add3A_98 = arith.constant 0 : i32
      %add3A_99 = arith.addi %mul3A_84, %add3A_98 : i32
      %dma_start3A_100 = arith.constant 0 : i32
      %dma_start3A_101 = tpu.memref_slice %arg12[%add3A_99, %dma_start3A_100] : memref<182x56xi32, #tpu.memory_space<vmem>> -> memref<1x56xi32, #tpu.memory_space<vmem>>
      %dma_start3A_102 = tpu.memref_squeeze %dma_start3A_101 : memref<1x56xi32, #tpu.memory_space<vmem>> -> memref<56xi32, #tpu.memory_space<vmem>>
      %dma_start3A_103 = arith.constant 0 : i32
      %dma_start3A_104 = arith.constant 0 : i32
      %dma_start3A_105 = tpu.memref_slice %arg10[%dma_start3A_103, %dma_start3A_104] : memref<10240x128xf32, #tpu.memory_space<vmem_shared>> -> memref<10240x128xf32, #tpu.memory_space<vmem_shared>>
      tpu.enqueue_indirect_dma source(%arg15 : memref<56x128xf32, #tpu.memory_space<vmem>>) target(%dma_start3A_105 : memref<10240x128xf32, #tpu.memory_space<vmem_shared>>) offsets(%dma_start3A_102 : memref<56xi32, #tpu.memory_space<vmem>>) semaphore(%arg19 : memref<!tpu.dma_semaphore, #tpu.memory_space<semaphore_mem>>) {add = true}
      %add3A_106 = arith.constant 0 : i32
      %add3A_107 = arith.addi %mul3A_84, %add3A_106 : i32
      %dma_start3A_108 = arith.constant 0 : i32
      %dma_start3A_109 = tpu.memref_slice %arg12[%add3A_107, %dma_start3A_108] : memref<182x56xi32, #tpu.memory_space<vmem>> -> memref<1x56xi32, #tpu.memory_space<vmem>>
      %dma_start3A_110 = tpu.memref_squeeze %dma_start3A_109 : memref<1x56xi32, #tpu.memory_space<vmem>> -> memref<56xi32, #tpu.memory_space<vmem>>
      %dma_start3A_111 = arith.constant 0 : i32
      %dma_start3A_112 = arith.constant 0 : i32
      %dma_start3A_113 = tpu.memref_slice %arg21[%dma_start3A_111, %dma_start3A_112] : memref<10240x16xi16, #tpu.memory_space<vmem_shared>> -> memref<10240x16xi16, #tpu.memory_space<vmem_shared>>
      tpu.enqueue_indirect_dma source(%arg22 : memref<56x16xi16, #tpu.memory_space<vmem>>) target(%dma_start3A_113 : memref<10240x16xi16, #tpu.memory_space<vmem_shared>>) offsets(%dma_start3A_110 : memref<56xi32, #tpu.memory_space<vmem>>) semaphore(%arg19 : memref<!tpu.dma_semaphore, #tpu.memory_space<semaphore_mem>>) {add = true}
      %add3A_114 = arith.constant 1 : i32
      %add3A_115 = arith.addi %mul3A_84, %add3A_114 : i32
      %dma_wait3A_116 = arith.constant 0 : i32
      %dma_wait3A_117 = tpu.memref_slice %arg11[%add3A_115, %dma_wait3A_116] : memref<182x56xi32, #tpu.memory_space<vmem>> -> memref<1x56xi32, #tpu.memory_space<vmem>>
      %dma_wait3A_118 = tpu.memref_squeeze %dma_wait3A_117 : memref<1x56xi32, #tpu.memory_space<vmem>> -> memref<56xi32, #tpu.memory_space<vmem>>
      %dma_wait3A_119 = arith.constant 0 : i32
      %dma_wait3A_120 = arith.constant 0 : i32
      %dma_wait3A_121 = tpu.memref_slice %arg2[%dma_wait3A_119, %dma_wait3A_120] : memref<10240x128xbf16, #tpu.memory_space<hbm>> -> memref<10240x128xbf16, #tpu.memory_space<hbm>>
      tpu.wait_indirect_dma semaphore(%arg18 : memref<!tpu.dma_semaphore, #tpu.memory_space<semaphore_mem>>) src(%dma_wait3A_121 : memref<10240x128xbf16, #tpu.memory_space<hbm>>) dst(%arg14 : memref<56x128xbf16, #tpu.memory_space<vmem>>)
      %scan3A_122 = arith.constant 0 : i32
      %scan3A_123 = arith.constant 0 : i32
      %scan3A_124 = arith.constant 56 : i32
      %scan3A_125 = arith.addi %scan3A_123, %scan3A_124 : i32
      %scan3A_126 = arith.constant 1 : i32
      scf.for %scan3A_188 = %scan3A_123 to %scan3A_125 step %scan3A_126  : i32 {
        %get3A = arith.index_cast %scan3A_188 : i32 to index
        %get3A_189 = arith.constant 0 : index
        %get3A_190 = tpu.vector_load %arg14[%get3A, %get3A_189] {strides = array<i32>} : memref<56x128xbf16, #tpu.memory_space<vmem>>, vector<32xbf16>,
        %unpack3A = tpu.unpack_subelements %get3A_190, 0 {pack_format = #tpu.pack_format<interleaved>} : vector<32xbf16> -> vector<16xf32>
        %unpack3A_191 = tpu.unpack_subelements %get3A_190, 1 {pack_format = #tpu.pack_format<interleaved>} : vector<32xbf16> -> vector<16xf32>
        %swap3A = arith.index_cast %scan3A_188 : i32 to index
        %swap3A_192 = arith.constant 0 : index
        %swap3A_193 = tpu.vector_load %arg16[%swap3A, %swap3A_192] {strides = array<i32>} : memref<56x128xf32, #tpu.memory_space<vmem>>, vector<16xf32>,
        tpu.vector_store %arg16[%swap3A, %swap3A_192], %unpack3A {strides = array<i32>} : memref<56x128xf32, #tpu.memory_space<vmem>>, vector<16xf32>,
        %swap3A_194 = arith.index_cast %scan3A_188 : i32 to index
        %swap3A_195 = arith.constant 16 : index
        %swap3A_196 = tpu.vector_load %arg16[%swap3A_194, %swap3A_195] {strides = array<i32>} : memref<56x128xf32, #tpu.memory_space<vmem>>, vector<16xf32>,
        tpu.vector_store %arg16[%swap3A_194, %swap3A_195], %unpack3A_191 {strides = array<i32>} : memref<56x128xf32, #tpu.memory_space<vmem>>, vector<16xf32>,
        %get3A_197 = arith.index_cast %scan3A_188 : i32 to index
        %get3A_198 = arith.constant 32 : index
        %get3A_199 = tpu.vector_load %arg14[%get3A_197, %get3A_198] {strides = array<i32>} : memref<56x128xbf16, #tpu.memory_space<vmem>>, vector<32xbf16>,
        %unpack3A_200 = tpu.unpack_subelements %get3A_199, 0 {pack_format = #tpu.pack_format<interleaved>} : vector<32xbf16> -> vector<16xf32>
        %unpack3A_201 = tpu.unpack_subelements %get3A_199, 1 {pack_format = #tpu.pack_format<interleaved>} : vector<32xbf16> -> vector<16xf32>
        %swap3A_202 = arith.index_cast %scan3A_188 : i32 to index
        %swap3A_203 = arith.constant 32 : index
        %swap3A_204 = tpu.vector_load %arg16[%swap3A_202, %swap3A_203] {strides = array<i32>} : memref<56x128xf32, #tpu.memory_space<vmem>>, vector<16xf32>,
        tpu.vector_store %arg16[%swap3A_202, %swap3A_203], %unpack3A_200 {strides = array<i32>} : memref<56x128xf32, #tpu.memory_space<vmem>>, vector<16xf32>,
        %swap3A_205 = arith.index_cast %scan3A_188 : i32 to index
        %swap3A_206 = arith.constant 48 : index
        %swap3A_207 = tpu.vector_load %arg16[%swap3A_205, %swap3A_206] {strides = array<i32>} : memref<56x128xf32, #tpu.memory_space<vmem>>, vector<16xf32>,
        tpu.vector_store %arg16[%swap3A_205, %swap3A_206], %unpack3A_201 {strides = array<i32>} : memref<56x128xf32, #tpu.memory_space<vmem>>, vector<16xf32>,
        %get3A_208 = arith.index_cast %scan3A_188 : i32 to index
        %get3A_209 = arith.constant 64 : index
        %get3A_210 = tpu.vector_load %arg14[%get3A_208, %get3A_209] {strides = array<i32>} : memref<56x128xbf16, #tpu.memory_space<vmem>>, vector<32xbf16>,
        %unpack3A_211 = tpu.unpack_subelements %get3A_210, 0 {pack_format = #tpu.pack_format<interleaved>} : vector<32xbf16> -> vector<16xf32>
        %unpack3A_212 = tpu.unpack_subelements %get3A_210, 1 {pack_format = #tpu.pack_format<interleaved>} : vector<32xbf16> -> vector<16xf32>
        %swap3A_213 = arith.index_cast %scan3A_188 : i32 to index
        %swap3A_214 = arith.constant 64 : index
        %swap3A_215 = tpu.vector_load %arg16[%swap3A_213, %swap3A_214] {strides = array<i32>} : memref<56x128xf32, #tpu.memory_space<vmem>>, vector<16xf32>,
        tpu.vector_store %arg16[%swap3A_213, %swap3A_214], %unpack3A_211 {strides = array<i32>} : memref<56x128xf32, #tpu.memory_space<vmem>>, vector<16xf32>,
        %swap3A_216 = arith.index_cast %scan3A_188 : i32 to index
        %swap3A_217 = arith.constant 80 : index
        %swap3A_218 = tpu.vector_load %arg16[%swap3A_216, %swap3A_217] {strides = array<i32>} : memref<56x128xf32, #tpu.memory_space<vmem>>, vector<16xf32>,
        tpu.vector_store %arg16[%swap3A_216, %swap3A_217], %unpack3A_212 {strides = array<i32>} : memref<56x128xf32, #tpu.memory_space<vmem>>, vector<16xf32>,
        %get3A_219 = arith.index_cast %scan3A_188 : i32 to index
        %get3A_220 = arith.constant 96 : index
        %get3A_221 = tpu.vector_load %arg14[%get3A_219, %get3A_220] {strides = array<i32>} : memref<56x128xbf16, #tpu.memory_space<vmem>>, vector<32xbf16>,
        %unpack3A_222 = tpu.unpack_subelements %get3A_221, 0 {pack_format = #tpu.pack_format<interleaved>} : vector<32xbf16> -> vector<16xf32>
        %unpack3A_223 = tpu.unpack_subelements %get3A_221, 1 {pack_format = #tpu.pack_format<interleaved>} : vector<32xbf16> -> vector<16xf32>
        %swap3A_224 = arith.index_cast %scan3A_188 : i32 to index
        %swap3A_225 = arith.constant 96 : index
        %swap3A_226 = tpu.vector_load %arg16[%swap3A_224, %swap3A_225] {strides = array<i32>} : memref<56x128xf32, #tpu.memory_space<vmem>>, vector<16xf32>,
        tpu.vector_store %arg16[%swap3A_224, %swap3A_225], %unpack3A_222 {strides = array<i32>} : memref<56x128xf32, #tpu.memory_space<vmem>>, vector<16xf32>,
        %swap3A_227 = arith.index_cast %scan3A_188 : i32 to index
        %swap3A_228 = arith.constant 112 : index
        %swap3A_229 = tpu.vector_load %arg16[%swap3A_227, %swap3A_228] {strides = array<i32>} : memref<56x128xf32, #tpu.memory_space<vmem>>, vector<16xf32>,
        tpu.vector_store %arg16[%swap3A_227, %swap3A_228], %unpack3A_223 {strides = array<i32>} : memref<56x128xf32, #tpu.memory_space<vmem>>, vector<16xf32>,
      }
      %scan3A_127 = arith.constant 56 : i32
      %add3A_128 = arith.constant 1 : i32
      %add3A_129 = arith.addi %mul3A_84, %add3A_128 : i32
      %dma_start3A_130 = arith.constant 0 : i32
      %dma_start3A_131 = tpu.memref_slice %arg12[%add3A_129, %dma_start3A_130] : memref<182x56xi32, #tpu.memory_space<vmem>> -> memref<1x56xi32, #tpu.memory_space<vmem>>
      %dma_start3A_132 = tpu.memref_squeeze %dma_start3A_131 : memref<1x56xi32, #tpu.memory_space<vmem>> -> memref<56xi32, #tpu.memory_space<vmem>>
      %dma_start3A_133 = arith.constant 0 : i32
      %dma_start3A_134 = arith.constant 0 : i32
      %dma_start3A_135 = tpu.memref_slice %arg10[%dma_start3A_133, %dma_start3A_134] : memref<10240x128xf32, #tpu.memory_space<vmem_shared>> -> memref<10240x128xf32, #tpu.memory_space<vmem_shared>>
      tpu.enqueue_indirect_dma source(%arg16 : memref<56x128xf32, #tpu.memory_space<vmem>>) target(%dma_start3A_135 : memref<10240x128xf32, #tpu.memory_space<vmem_shared>>) offsets(%dma_start3A_132 : memref<56xi32, #tpu.memory_space<vmem>>) semaphore(%arg20 : memref<!tpu.dma_semaphore, #tpu.memory_space<semaphore_mem>>) {add = true}
      %add3A_136 = arith.constant 1 : i32
      %add3A_137 = arith.addi %mul3A_84, %add3A_136 : i32
      %dma_start3A_138 = arith.constant 0 : i32
      %dma_start3A_139 = tpu.memref_slice %arg12[%add3A_137, %dma_start3A_138] : memref<182x56xi32, #tpu.memory_space<vmem>> -> memref<1x56xi32, #tpu.memory_space<vmem>>
      %dma_start3A_140 = tpu.memref_squeeze %dma_start3A_139 : memref<1x56xi32, #tpu.memory_space<vmem>> -> memref<56xi32, #tpu.memory_space<vmem>>
      %dma_start3A_141 = arith.constant 0 : i32
      %dma_start3A_142 = arith.constant 0 : i32
      %dma_start3A_143 = tpu.memref_slice %arg21[%dma_start3A_141, %dma_start3A_142] : memref<10240x16xi16, #tpu.memory_space<vmem_shared>> -> memref<10240x16xi16, #tpu.memory_space<vmem_shared>>
      tpu.enqueue_indirect_dma source(%arg22 : memref<56x16xi16, #tpu.memory_space<vmem>>) target(%dma_start3A_143 : memref<10240x16xi16, #tpu.memory_space<vmem_shared>>) offsets(%dma_start3A_140 : memref<56xi32, #tpu.memory_space<vmem>>) semaphore(%arg20 : memref<!tpu.dma_semaphore, #tpu.memory_space<semaphore_mem>>) {add = true}
      %dma_wait3A_144 = arith.constant 0 : i32
      %dma_wait3A_145 = tpu.memref_slice %arg12[%add3A_99, %dma_wait3A_144] : memref<182x56xi32, #tpu.memory_space<vmem>> -> memref<1x56xi32, #tpu.memory_space<vmem>>
      %dma_wait3A_146 = tpu.memref_squeeze %dma_wait3A_145 : memref<1x56xi32, #tpu.memory_space<vmem>> -> memref<56xi32, #tpu.memory_space<vmem>>
      %dma_wait3A_147 = arith.constant 0 : i32
      %dma_wait3A_148 = arith.constant 0 : i32
      %dma_wait3A_149 = tpu.memref_slice %arg10[%dma_wait3A_147, %dma_wait3A_148] : memref<10240x128xf32, #tpu.memory_space<vmem_shared>> -> memref<10240x128xf32, #tpu.memory_space<vmem_shared>>
      tpu.wait_indirect_dma semaphore(%arg19 : memref<!tpu.dma_semaphore, #tpu.memory_space<semaphore_mem>>) src(%arg15 : memref<56x128xf32, #tpu.memory_space<vmem>>) dst(%dma_wait3A_149 : memref<10240x128xf32, #tpu.memory_space<vmem_shared>>)
      %dma_wait3A_150 = arith.constant 0 : i32
      %dma_wait3A_151 = tpu.memref_slice %arg12[%add3A_107, %dma_wait3A_150] : memref<182x56xi32, #tpu.memory_space<vmem>> -> memref<1x56xi32, #tpu.memory_space<vmem>>
      %dma_wait3A_152 = tpu.memref_squeeze %dma_wait3A_151 : memref<1x56xi32, #tpu.memory_space<vmem>> -> memref<56xi32, #tpu.memory_space<vmem>>
      %dma_wait3A_153 = arith.constant 0 : i32
      %dma_wait3A_154 = arith.constant 0 : i32
      %dma_wait3A_155 = tpu.memref_slice %arg21[%dma_wait3A_153, %dma_wait3A_154] : memref<10240x16xi16, #tpu.memory_space<vmem_shared>> -> memref<10240x16xi16, #tpu.memory_space<vmem_shared>>
      tpu.wait_indirect_dma semaphore(%arg19 : memref<!tpu.dma_semaphore, #tpu.memory_space<semaphore_mem>>) src(%arg22 : memref<56x16xi16, #tpu.memory_space<vmem>>) dst(%dma_wait3A_155 : memref<10240x16xi16, #tpu.memory_space<vmem_shared>>)
      %add3A_156 = arith.constant 2 : i32
      %add3A_157 = arith.addi %mul3A_84, %add3A_156 : i32
      %add3A_158 = arith.constant 0 : i32
      %add3A_159 = arith.addi %add3A_157, %add3A_158 : i32
      %dma_start3A_160 = arith.constant 0 : i32
      %dma_start3A_161 = tpu.memref_slice %arg11[%add3A_159, %dma_start3A_160] : memref<182x56xi32, #tpu.memory_space<vmem>> -> memref<1x56xi32, #tpu.memory_space<vmem>>
      %dma_start3A_162 = tpu.memref_squeeze %dma_start3A_161 : memref<1x56xi32, #tpu.memory_space<vmem>> -> memref<56xi32, #tpu.memory_space<vmem>>
      %dma_start3A_163 = arith.constant 0 : i32
      %dma_start3A_164 = arith.constant 0 : i32
      %dma_start3A_165 = tpu.memref_slice %arg2[%dma_start3A_163, %dma_start3A_164] : memref<10240x128xbf16, #tpu.memory_space<hbm>> -> memref<10240x128xbf16, #tpu.memory_space<hbm>>
      tpu.enqueue_indirect_dma source(%dma_start3A_165 : memref<10240x128xbf16, #tpu.memory_space<hbm>>) target(%arg13 : memref<56x128xbf16, #tpu.memory_space<vmem>>) offsets(%dma_start3A_162 : memref<56xi32, #tpu.memory_space<vmem>>) semaphore(%arg17 : memref<!tpu.dma_semaphore, #tpu.memory_space<semaphore_mem>>)
      %dma_wait3A_166 = arith.constant 0 : i32
      %dma_wait3A_167 = tpu.memref_slice %arg12[%add3A_129, %dma_wait3A_166] : memref<182x56xi32, #tpu.memory_space<vmem>> -> memref<1x56xi32, #tpu.memory_space<vmem>>
      %dma_wait3A_168 = tpu.memref_squeeze %dma_wait3A_167 : memref<1x56xi32, #tpu.memory_space<vmem>> -> memref<56xi32, #tpu.memory_space<vmem>>
      %dma_wait3A_169 = arith.constant 0 : i32
      %dma_wait3A_170 = arith.constant 0 : i32
      %dma_wait3A_171 = tpu.memref_slice %arg10[%dma_wait3A_169, %dma_wait3A_170] : memref<10240x128xf32, #tpu.memory_space<vmem_shared>> -> memref<10240x128xf32, #tpu.memory_space<vmem_shared>>
      tpu.wait_indirect_dma semaphore(%arg20 : memref<!tpu.dma_semaphore, #tpu.memory_space<semaphore_mem>>) src(%arg16 : memref<56x128xf32, #tpu.memory_space<vmem>>) dst(%dma_wait3A_171 : memref<10240x128xf32, #tpu.memory_space<vmem_shared>>)
      %dma_wait3A_172 = arith.constant 0 : i32
      %dma_wait3A_173 = tpu.memref_slice %arg12[%add3A_137, %dma_wait3A_172] : memref<182x56xi32, #tpu.memory_space<vmem>> -> memref<1x56xi32, #tpu.memory_space<vmem>>
      %dma_wait3A_174 = tpu.memref_squeeze %dma_wait3A_173 : memref<1x56xi32, #tpu.memory_space<vmem>> -> memref<56xi32, #tpu.memory_space<vmem>>
      %dma_wait3A_175 = arith.constant 0 : i32
      %dma_wait3A_176 = arith.constant 0 : i32
      %dma_wait3A_177 = tpu.memref_slice %arg21[%dma_wait3A_175, %dma_wait3A_176] : memref<10240x16xi16, #tpu.memory_space<vmem_shared>> -> memref<10240x16xi16, #tpu.memory_space<vmem_shared>>
      tpu.wait_indirect_dma semaphore(%arg20 : memref<!tpu.dma_semaphore, #tpu.memory_space<semaphore_mem>>) src(%arg22 : memref<56x16xi16, #tpu.memory_space<vmem>>) dst(%dma_wait3A_177 : memref<10240x16xi16, #tpu.memory_space<vmem_shared>>)
      %add3A_178 = arith.constant 2 : i32
      %add3A_179 = arith.addi %mul3A_84, %add3A_178 : i32
      %add3A_180 = arith.constant 1 : i32
      %add3A_181 = arith.addi %add3A_179, %add3A_180 : i32
      %dma_start3A_182 = arith.constant 0 : i32
      %dma_start3A_183 = tpu.memref_slice %arg11[%add3A_181, %dma_start3A_182] : memref<182x56xi32, #tpu.memory_space<vmem>> -> memref<1x56xi32, #tpu.memory_space<vmem>>
      %dma_start3A_184 = tpu.memref_squeeze %dma_start3A_183 : memref<1x56xi32, #tpu.memory_space<vmem>> -> memref<56xi32, #tpu.memory_space<vmem>>
      %dma_start3A_185 = arith.constant 0 : i32
      %dma_start3A_186 = arith.constant 0 : i32
      %dma_start3A_187 = tpu.memref_slice %arg2[%dma_start3A_185, %dma_start3A_186] : memref<10240x128xbf16, #tpu.memory_space<hbm>> -> memref<10240x128xbf16, #tpu.memory_space<hbm>>
      tpu.enqueue_indirect_dma source(%dma_start3A_187 : memref<10240x128xbf16, #tpu.memory_space<hbm>>) target(%arg14 : memref<56x128xbf16, #tpu.memory_space<vmem>>) offsets(%dma_start3A_184 : memref<56xi32, #tpu.memory_space<vmem>>) semaphore(%arg18 : memref<!tpu.dma_semaphore, #tpu.memory_space<semaphore_mem>>)
    }
    %while3A_56 = arith.constant 1 : i32
    scf.for %while3A_82 = %while3A_54 to %while3A_50 step %while3A_56  : i32 {
      %mul3A_83 = arith.constant 2 : i32
      %mul3A_84 = arith.muli %mul3A_83, %while3A_82 : i32
      %add3A_85 = arith.constant 0 : i32
      %add3A_86 = arith.addi %mul3A_84, %add3A_85 : i32
      %dma_wait3A_87 = arith.constant 0 : i32
      %dma_wait3A_88 = tpu.memref_slice %arg11[%add3A_86, %dma_wait3A_87] : memref<182x56xi32, #tpu.memory_space<vmem>> -> memref<1x56xi32, #tpu.memory_space<vmem>>
      %dma_wait3A_89 = tpu.memref_squeeze %dma_wait3A_88 : memref<1x56xi32, #tpu.memory_space<vmem>> -> memref<56xi32, #tpu.memory_space<vmem>>
      %dma_wait3A_90 = arith.constant 0 : i32
      %dma_wait3A_91 = arith.constant 0 : i32
      %dma_wait3A_92 = tpu.memref_slice %arg2[%dma_wait3A_90, %dma_wait3A_91] : memref<10240x128xbf16, #tpu.memory_space<hbm>> -> memref<10240x128xbf16, #tpu.memory_space<hbm>>
      tpu.wait_indirect_dma semaphore(%arg17 : memref<!tpu.dma_semaphore, #tpu.memory_space<semaphore_mem>>) src(%dma_wait3A_92 : memref<10240x128xbf16, #tpu.memory_space<hbm>>) dst(%arg13 : memref<56x128xbf16, #tpu.memory_space<vmem>>)
      %scan3A = arith.constant 0 : i32
      %scan3A_93 = arith.constant 0 : i32
      %scan3A_94 = arith.constant 56 : i32
      %scan3A_95 = arith.addi %scan3A_93, %scan3A_94 : i32
      %scan3A_96 = arith.constant 1 : i32
      scf.for %scan3A_188 = %scan3A_93 to %scan3A_95 step %scan3A_96  : i32 {
        %get3A = arith.index_cast %scan3A_188 : i32 to index
        %get3A_189 = arith.constant 0 : index
        %get3A_190 = tpu.vector_load %arg13[%get3A, %get3A_189] {strides = array<i32>} : memref<56x128xbf16, #tpu.memory_space<vmem>>, vector<32xbf16>,
        %unpack3A = tpu.unpack_subelements %get3A_190, 0 {pack_format = #tpu.pack_format<interleaved>} : vector<32xbf16> -> vector<16xf32>
        %unpack3A_191 = tpu.unpack_subelements %get3A_190, 1 {pack_format = #tpu.pack_format<interleaved>} : vector<32xbf16> -> vector<16xf32>
        %swap3A = arith.index_cast %scan3A_188 : i32 to index
        %swap3A_192 = arith.constant 0 : index
        %swap3A_193 = tpu.vector_load %arg15[%swap3A, %swap3A_192] {strides = array<i32>} : memref<56x128xf32, #tpu.memory_space<vmem>>, vector<16xf32>,
        tpu.vector_store %arg15[%swap3A, %swap3A_192], %unpack3A {strides = array<i32>} : memref<56x128xf32, #tpu.memory_space<vmem>>, vector<16xf32>,
        %swap3A_194 = arith.index_cast %scan3A_188 : i32 to index
        %swap3A_195 = arith.constant 16 : index
        %swap3A_196 = tpu.vector_load %arg15[%swap3A_194, %swap3A_195] {strides = array<i32>} : memref<56x128xf32, #tpu.memory_space<vmem>>, vector<16xf32>,
        tpu.vector_store %arg15[%swap3A_194, %swap3A_195], %unpack3A_191 {strides = array<i32>} : memref<56x128xf32, #tpu.memory_space<vmem>>, vector<16xf32>,
        %get3A_197 = arith.index_cast %scan3A_188 : i32 to index
        %get3A_198 = arith.constant 32 : index
        %get3A_199 = tpu.vector_load %arg13[%get3A_197, %get3A_198] {strides = array<i32>} : memref<56x128xbf16, #tpu.memory_space<vmem>>, vector<32xbf16>,
        %unpack3A_200 = tpu.unpack_subelements %get3A_199, 0 {pack_format = #tpu.pack_format<interleaved>} : vector<32xbf16> -> vector<16xf32>
        %unpack3A_201 = tpu.unpack_subelements %get3A_199, 1 {pack_format = #tpu.pack_format<interleaved>} : vector<32xbf16> -> vector<16xf32>
        %swap3A_202 = arith.index_cast %scan3A_188 : i32 to index
        %swap3A_203 = arith.constant 32 : index
        %swap3A_204 = tpu.vector_load %arg15[%swap3A_202, %swap3A_203] {strides = array<i32>} : memref<56x128xf32, #tpu.memory_space<vmem>>, vector<16xf32>,
        tpu.vector_store %arg15[%swap3A_202, %swap3A_203], %unpack3A_200 {strides = array<i32>} : memref<56x128xf32, #tpu.memory_space<vmem>>, vector<16xf32>,
        %swap3A_205 = arith.index_cast %scan3A_188 : i32 to index
        %swap3A_206 = arith.constant 48 : index
        %swap3A_207 = tpu.vector_load %arg15[%swap3A_205, %swap3A_206] {strides = array<i32>} : memref<56x128xf32, #tpu.memory_space<vmem>>, vector<16xf32>,
        tpu.vector_store %arg15[%swap3A_205, %swap3A_206], %unpack3A_201 {strides = array<i32>} : memref<56x128xf32, #tpu.memory_space<vmem>>, vector<16xf32>,
        %get3A_208 = arith.index_cast %scan3A_188 : i32 to index
        %get3A_209 = arith.constant 64 : index
        %get3A_210 = tpu.vector_load %arg13[%get3A_208, %get3A_209] {strides = array<i32>} : memref<56x128xbf16, #tpu.memory_space<vmem>>, vector<32xbf16>,
        %unpack3A_211 = tpu.unpack_subelements %get3A_210, 0 {pack_format = #tpu.pack_format<interleaved>} : vector<32xbf16> -> vector<16xf32>
        %unpack3A_212 = tpu.unpack_subelements %get3A_210, 1 {pack_format = #tpu.pack_format<interleaved>} : vector<32xbf16> -> vector<16xf32>
        %swap3A_213 = arith.index_cast %scan3A_188 : i32 to index
        %swap3A_214 = arith.constant 64 : index
        %swap3A_215 = tpu.vector_load %arg15[%swap3A_213, %swap3A_214] {strides = array<i32>} : memref<56x128xf32, #tpu.memory_space<vmem>>, vector<16xf32>,
        tpu.vector_store %arg15[%swap3A_213, %swap3A_214], %unpack3A_211 {strides = array<i32>} : memref<56x128xf32, #tpu.memory_space<vmem>>, vector<16xf32>,
        %swap3A_216 = arith.index_cast %scan3A_188 : i32 to index
        %swap3A_217 = arith.constant 80 : index
        %swap3A_218 = tpu.vector_load %arg15[%swap3A_216, %swap3A_217] {strides = array<i32>} : memref<56x128xf32, #tpu.memory_space<vmem>>, vector<16xf32>,
        tpu.vector_store %arg15[%swap3A_216, %swap3A_217], %unpack3A_212 {strides = array<i32>} : memref<56x128xf32, #tpu.memory_space<vmem>>, vector<16xf32>,
        %get3A_219 = arith.index_cast %scan3A_188 : i32 to index
        %get3A_220 = arith.constant 96 : index
        %get3A_221 = tpu.vector_load %arg13[%get3A_219, %get3A_220] {strides = array<i32>} : memref<56x128xbf16, #tpu.memory_space<vmem>>, vector<32xbf16>,
        %unpack3A_222 = tpu.unpack_subelements %get3A_221, 0 {pack_format = #tpu.pack_format<interleaved>} : vector<32xbf16> -> vector<16xf32>
        %unpack3A_223 = tpu.unpack_subelements %get3A_221, 1 {pack_format = #tpu.pack_format<interleaved>} : vector<32xbf16> -> vector<16xf32>
        %swap3A_224 = arith.index_cast %scan3A_188 : i32 to index
        %swap3A_225 = arith.constant 96 : index
        %swap3A_226 = tpu.vector_load %arg15[%swap3A_224, %swap3A_225] {strides = array<i32>} : memref<56x128xf32, #tpu.memory_space<vmem>>, vector<16xf32>,
        tpu.vector_store %arg15[%swap3A_224, %swap3A_225], %unpack3A_222 {strides = array<i32>} : memref<56x128xf32, #tpu.memory_space<vmem>>, vector<16xf32>,
        %swap3A_227 = arith.index_cast %scan3A_188 : i32 to index
        %swap3A_228 = arith.constant 112 : index
        %swap3A_229 = tpu.vector_load %arg15[%swap3A_227, %swap3A_228] {strides = array<i32>} : memref<56x128xf32, #tpu.memory_space<vmem>>, vector<16xf32>,
        tpu.vector_store %arg15[%swap3A_227, %swap3A_228], %unpack3A_223 {strides = array<i32>} : memref<56x128xf32, #tpu.memory_space<vmem>>, vector<16xf32>,
      }
      %scan3A_97 = arith.constant 56 : i32
      %add3A_98 = arith.constant 0 : i32
      %add3A_99 = arith.addi %mul3A_84, %add3A_98 : i32
      %dma_start3A_100 = arith.constant 0 : i32
      %dma_start3A_101 = tpu.memref_slice %arg12[%add3A_99, %dma_start3A_100] : memref<182x56xi32, #tpu.memory_space<vmem>> -> memref<1x56xi32, #tpu.memory_space<vmem>>
      %dma_start3A_102 = tpu.memref_squeeze %dma_start3A_101 : memref<1x56xi32, #tpu.memory_space<vmem>> -> memref<56xi32, #tpu.memory_space<vmem>>
      %dma_start3A_103 = arith.constant 0 : i32
      %dma_start3A_104 = arith.constant 0 : i32
      %dma_start3A_105 = tpu.memref_slice %arg10[%dma_start3A_103, %dma_start3A_104] : memref<10240x128xf32, #tpu.memory_space<vmem_shared>> -> memref<10240x128xf32, #tpu.memory_space<vmem_shared>>
      tpu.enqueue_indirect_dma source(%arg15 : memref<56x128xf32, #tpu.memory_space<vmem>>) target(%dma_start3A_105 : memref<10240x128xf32, #tpu.memory_space<vmem_shared>>) offsets(%dma_start3A_102 : memref<56xi32, #tpu.memory_space<vmem>>) semaphore(%arg19 : memref<!tpu.dma_semaphore, #tpu.memory_space<semaphore_mem>>) {add = true}
      %add3A_106 = arith.constant 0 : i32
      %add3A_107 = arith.addi %mul3A_84, %add3A_106 : i32
      %dma_start3A_108 = arith.constant 0 : i32
      %dma_start3A_109 = tpu.memref_slice %arg12[%add3A_107, %dma_start3A_108] : memref<182x56xi32, #tpu.memory_space<vmem>> -> memref<1x56xi32, #tpu.memory_space<vmem>>
      %dma_start3A_110 = tpu.memref_squeeze %dma_start3A_109 : memref<1x56xi32, #tpu.memory_space<vmem>> -> memref<56xi32, #tpu.memory_space<vmem>>
      %dma_start3A_111 = arith.constant 0 : i32
      %dma_start3A_112 = arith.constant 0 : i32
      %dma_start3A_113 = tpu.memref_slice %arg21[%dma_start3A_111, %dma_start3A_112] : memref<10240x16xi16, #tpu.memory_space<vmem_shared>> -> memref<10240x16xi16, #tpu.memory_space<vmem_shared>>
      tpu.enqueue_indirect_dma source(%arg22 : memref<56x16xi16, #tpu.memory_space<vmem>>) target(%dma_start3A_113 : memref<10240x16xi16, #tpu.memory_space<vmem_shared>>) offsets(%dma_start3A_110 : memref<56xi32, #tpu.memory_space<vmem>>) semaphore(%arg19 : memref<!tpu.dma_semaphore, #tpu.memory_space<semaphore_mem>>) {add = true}
      %add3A_114 = arith.constant 1 : i32
      %add3A_115 = arith.addi %mul3A_84, %add3A_114 : i32
      %dma_wait3A_116 = arith.constant 0 : i32
      %dma_wait3A_117 = tpu.memref_slice %arg11[%add3A_115, %dma_wait3A_116] : memref<182x56xi32, #tpu.memory_space<vmem>> -> memref<1x56xi32, #tpu.memory_space<vmem>>
      %dma_wait3A_118 = tpu.memref_squeeze %dma_wait3A_117 : memref<1x56xi32, #tpu.memory_space<vmem>> -> memref<56xi32, #tpu.memory_space<vmem>>
      %dma_wait3A_119 = arith.constant 0 : i32
      %dma_wait3A_120 = arith.constant 0 : i32
      %dma_wait3A_121 = tpu.memref_slice %arg2[%dma_wait3A_119, %dma_wait3A_120] : memref<10240x128xbf16, #tpu.memory_space<hbm>> -> memref<10240x128xbf16, #tpu.memory_space<hbm>>
      tpu.wait_indirect_dma semaphore(%arg18 : memref<!tpu.dma_semaphore, #tpu.memory_space<semaphore_mem>>) src(%dma_wait3A_121 : memref<10240x128xbf16, #tpu.memory_space<hbm>>) dst(%arg14 : memref<56x128xbf16, #tpu.memory_space<vmem>>)
      %scan3A_122 = arith.constant 0 : i32
      %scan3A_123 = arith.constant 0 : i32
      %scan3A_124 = arith.constant 56 : i32
      %scan3A_125 = arith.addi %scan3A_123, %scan3A_124 : i32
      %scan3A_126 = arith.constant 1 : i32
      scf.for %scan3A_188 = %scan3A_123 to %scan3A_125 step %scan3A_126  : i32 {
        %get3A = arith.index_cast %scan3A_188 : i32 to index
        %get3A_189 = arith.constant 0 : index
        %get3A_190 = tpu.vector_load %arg14[%get3A, %get3A_189] {strides = array<i32>} : memref<56x128xbf16, #tpu.memory_space<vmem>>, vector<32xbf16>,
        %unpack3A = tpu.unpack_subelements %get3A_190, 0 {pack_format = #tpu.pack_format<interleaved>} : vector<32xbf16> -> vector<16xf32>
        %unpack3A_191 = tpu.unpack_subelements %get3A_190, 1 {pack_format = #tpu.pack_format<interleaved>} : vector<32xbf16> -> vector<16xf32>
        %swap3A = arith.index_cast %scan3A_188 : i32 to index
        %swap3A_192 = arith.constant 0 : index
        %swap3A_193 = tpu.vector_load %arg16[%swap3A, %swap3A_192] {strides = array<i32>} : memref<56x128xf32, #tpu.memory_space<vmem>>, vector<16xf32>,
        tpu.vector_store %arg16[%swap3A, %swap3A_192], %unpack3A {strides = array<i32>} : memref<56x128xf32, #tpu.memory_space<vmem>>, vector<16xf32>,
        %swap3A_194 = arith.index_cast %scan3A_188 : i32 to index
        %swap3A_195 = arith.constant 16 : index
        %swap3A_196 = tpu.vector_load %arg16[%swap3A_194, %swap3A_195] {strides = array<i32>} : memref<56x128xf32, #tpu.memory_space<vmem>>, vector<16xf32>,
        tpu.vector_store %arg16[%swap3A_194, %swap3A_195], %unpack3A_191 {strides = array<i32>} : memref<56x128xf32, #tpu.memory_space<vmem>>, vector<16xf32>,
        %get3A_197 = arith.index_cast %scan3A_188 : i32 to index
        %get3A_198 = arith.constant 32 : index
        %get3A_199 = tpu.vector_load %arg14[%get3A_197, %get3A_198] {strides = array<i32>} : memref<56x128xbf16, #tpu.memory_space<vmem>>, vector<32xbf16>,
        %unpack3A_200 = tpu.unpack_subelements %get3A_199, 0 {pack_format = #tpu.pack_format<interleaved>} : vector<32xbf16> -> vector<16xf32>
        %unpack3A_201 = tpu.unpack_subelements %get3A_199, 1 {pack_format = #tpu.pack_format<interleaved>} : vector<32xbf16> -> vector<16xf32>
        %swap3A_202 = arith.index_cast %scan3A_188 : i32 to index
        %swap3A_203 = arith.constant 32 : index
        %swap3A_204 = tpu.vector_load %arg16[%swap3A_202, %swap3A_203] {strides = array<i32>} : memref<56x128xf32, #tpu.memory_space<vmem>>, vector<16xf32>,
        tpu.vector_store %arg16[%swap3A_202, %swap3A_203], %unpack3A_200 {strides = array<i32>} : memref<56x128xf32, #tpu.memory_space<vmem>>, vector<16xf32>,
        %swap3A_205 = arith.index_cast %scan3A_188 : i32 to index
        %swap3A_206 = arith.constant 48 : index
        %swap3A_207 = tpu.vector_load %arg16[%swap3A_205, %swap3A_206] {strides = array<i32>} : memref<56x128xf32, #tpu.memory_space<vmem>>, vector<16xf32>,
        tpu.vector_store %arg16[%swap3A_205, %swap3A_206], %unpack3A_201 {strides = array<i32>} : memref<56x128xf32, #tpu.memory_space<vmem>>, vector<16xf32>,
        %get3A_208 = arith.index_cast %scan3A_188 : i32 to index
        %get3A_209 = arith.constant 64 : index
        %get3A_210 = tpu.vector_load %arg14[%get3A_208, %get3A_209] {strides = array<i32>} : memref<56x128xbf16, #tpu.memory_space<vmem>>, vector<32xbf16>,
        %unpack3A_211 = tpu.unpack_subelements %get3A_210, 0 {pack_format = #tpu.pack_format<interleaved>} : vector<32xbf16> -> vector<16xf32>
        %unpack3A_212 = tpu.unpack_subelements %get3A_210, 1 {pack_format = #tpu.pack_format<interleaved>} : vector<32xbf16> -> vector<16xf32>
        %swap3A_213 = arith.index_cast %scan3A_188 : i32 to index
        %swap3A_214 = arith.constant 64 : index
        %swap3A_215 = tpu.vector_load %arg16[%swap3A_213, %swap3A_214] {strides = array<i32>} : memref<56x128xf32, #tpu.memory_space<vmem>>, vector<16xf32>,
        tpu.vector_store %arg16[%swap3A_213, %swap3A_214], %unpack3A_211 {strides = array<i32>} : memref<56x128xf32, #tpu.memory_space<vmem>>, vector<16xf32>,
        %swap3A_216 = arith.index_cast %scan3A_188 : i32 to index
        %swap3A_217 = arith.constant 80 : index
        %swap3A_218 = tpu.vector_load %arg16[%swap3A_216, %swap3A_217] {strides = array<i32>} : memref<56x128xf32, #tpu.memory_space<vmem>>, vector<16xf32>,
        tpu.vector_store %arg16[%swap3A_216, %swap3A_217], %unpack3A_212 {strides = array<i32>} : memref<56x128xf32, #tpu.memory_space<vmem>>, vector<16xf32>,
        %get3A_219 = arith.index_cast %scan3A_188 : i32 to index
        %get3A_220 = arith.constant 96 : index
        %get3A_221 = tpu.vector_load %arg14[%get3A_219, %get3A_220] {strides = array<i32>} : memref<56x128xbf16, #tpu.memory_space<vmem>>, vector<32xbf16>,
        %unpack3A_222 = tpu.unpack_subelements %get3A_221, 0 {pack_format = #tpu.pack_format<interleaved>} : vector<32xbf16> -> vector<16xf32>
        %unpack3A_223 = tpu.unpack_subelements %get3A_221, 1 {pack_format = #tpu.pack_format<interleaved>} : vector<32xbf16> -> vector<16xf32>
        %swap3A_224 = arith.index_cast %scan3A_188 : i32 to index
        %swap3A_225 = arith.constant 96 : index
        %swap3A_226 = tpu.vector_load %arg16[%swap3A_224, %swap3A_225] {strides = array<i32>} : memref<56x128xf32, #tpu.memory_space<vmem>>, vector<16xf32>,
        tpu.vector_store %arg16[%swap3A_224, %swap3A_225], %unpack3A_222 {strides = array<i32>} : memref<56x128xf32, #tpu.memory_space<vmem>>, vector<16xf32>,
        %swap3A_227 = arith.index_cast %scan3A_188 : i32 to index
        %swap3A_228 = arith.constant 112 : index
        %swap3A_229 = tpu.vector_load %arg16[%swap3A_227, %swap3A_228] {strides = array<i32>} : memref<56x128xf32, #tpu.memory_space<vmem>>, vector<16xf32>,
        tpu.vector_store %arg16[%swap3A_227, %swap3A_228], %unpack3A_223 {strides = array<i32>} : memref<56x128xf32, #tpu.memory_space<vmem>>, vector<16xf32>,
      }
      %scan3A_127 = arith.constant 56 : i32
      %add3A_128 = arith.constant 1 : i32
      %add3A_129 = arith.addi %mul3A_84, %add3A_128 : i32
      %dma_start3A_130 = arith.constant 0 : i32
      %dma_start3A_131 = tpu.memref_slice %arg12[%add3A_129, %dma_start3A_130] : memref<182x56xi32, #tpu.memory_space<vmem>> -> memref<1x56xi32, #tpu.memory_space<vmem>>
      %dma_start3A_132 = tpu.memref_squeeze %dma_start3A_131 : memref<1x56xi32, #tpu.memory_space<vmem>> -> memref<56xi32, #tpu.memory_space<vmem>>
      %dma_start3A_133 = arith.constant 0 : i32
      %dma_start3A_134 = arith.constant 0 : i32
      %dma_start3A_135 = tpu.memref_slice %arg10[%dma_start3A_133, %dma_start3A_134] : memref<10240x128xf32, #tpu.memory_space<vmem_shared>> -> memref<10240x128xf32, #tpu.memory_space<vmem_shared>>
      tpu.enqueue_indirect_dma source(%arg16 : memref<56x128xf32, #tpu.memory_space<vmem>>) target(%dma_start3A_135 : memref<10240x128xf32, #tpu.memory_space<vmem_shared>>) offsets(%dma_start3A_132 : memref<56xi32, #tpu.memory_space<vmem>>) semaphore(%arg20 : memref<!tpu.dma_semaphore, #tpu.memory_space<semaphore_mem>>) {add = true}
      %add3A_136 = arith.constant 1 : i32
      %add3A_137 = arith.addi %mul3A_84, %add3A_136 : i32
      %dma_start3A_138 = arith.constant 0 : i32
      %dma_start3A_139 = tpu.memref_slice %arg12[%add3A_137, %dma_start3A_138] : memref<182x56xi32, #tpu.memory_space<vmem>> -> memref<1x56xi32, #tpu.memory_space<vmem>>
      %dma_start3A_140 = tpu.memref_squeeze %dma_start3A_139 : memref<1x56xi32, #tpu.memory_space<vmem>> -> memref<56xi32, #tpu.memory_space<vmem>>
      %dma_start3A_141 = arith.constant 0 : i32
      %dma_start3A_142 = arith.constant 0 : i32
      %dma_start3A_143 = tpu.memref_slice %arg21[%dma_start3A_141, %dma_start3A_142] : memref<10240x16xi16, #tpu.memory_space<vmem_shared>> -> memref<10240x16xi16, #tpu.memory_space<vmem_shared>>
      tpu.enqueue_indirect_dma source(%arg22 : memref<56x16xi16, #tpu.memory_space<vmem>>) target(%dma_start3A_143 : memref<10240x16xi16, #tpu.memory_space<vmem_shared>>) offsets(%dma_start3A_140 : memref<56xi32, #tpu.memory_space<vmem>>) semaphore(%arg20 : memref<!tpu.dma_semaphore, #tpu.memory_space<semaphore_mem>>) {add = true}
      %dma_wait3A_144 = arith.constant 0 : i32
      %dma_wait3A_145 = tpu.memref_slice %arg12[%add3A_99, %dma_wait3A_144] : memref<182x56xi32, #tpu.memory_space<vmem>> -> memref<1x56xi32, #tpu.memory_space<vmem>>
      %dma_wait3A_146 = tpu.memref_squeeze %dma_wait3A_145 : memref<1x56xi32, #tpu.memory_space<vmem>> -> memref<56xi32, #tpu.memory_space<vmem>>
      %dma_wait3A_147 = arith.constant 0 : i32
      %dma_wait3A_148 = arith.constant 0 : i32
      %dma_wait3A_149 = tpu.memref_slice %arg10[%dma_wait3A_147, %dma_wait3A_148] : memref<10240x128xf32, #tpu.memory_space<vmem_shared>> -> memref<10240x128xf32, #tpu.memory_space<vmem_shared>>
      tpu.wait_indirect_dma semaphore(%arg19 : memref<!tpu.dma_semaphore, #tpu.memory_space<semaphore_mem>>) src(%arg15 : memref<56x128xf32, #tpu.memory_space<vmem>>) dst(%dma_wait3A_149 : memref<10240x128xf32, #tpu.memory_space<vmem_shared>>)
      %dma_wait3A_150 = arith.constant 0 : i32
      %dma_wait3A_151 = tpu.memref_slice %arg12[%add3A_107, %dma_wait3A_150] : memref<182x56xi32, #tpu.memory_space<vmem>> -> memref<1x56xi32, #tpu.memory_space<vmem>>
      %dma_wait3A_152 = tpu.memref_squeeze %dma_wait3A_151 : memref<1x56xi32, #tpu.memory_space<vmem>> -> memref<56xi32, #tpu.memory_space<vmem>>
      %dma_wait3A_153 = arith.constant 0 : i32
      %dma_wait3A_154 = arith.constant 0 : i32
      %dma_wait3A_155 = tpu.memref_slice %arg21[%dma_wait3A_153, %dma_wait3A_154] : memref<10240x16xi16, #tpu.memory_space<vmem_shared>> -> memref<10240x16xi16, #tpu.memory_space<vmem_shared>>
      tpu.wait_indirect_dma semaphore(%arg19 : memref<!tpu.dma_semaphore, #tpu.memory_space<semaphore_mem>>) src(%arg22 : memref<56x16xi16, #tpu.memory_space<vmem>>) dst(%dma_wait3A_155 : memref<10240x16xi16, #tpu.memory_space<vmem_shared>>)
      %add3A_156 = arith.constant 2 : i32
      %add3A_157 = arith.addi %mul3A_84, %add3A_156 : i32
      %add3A_158 = arith.constant 0 : i32
      %add3A_159 = arith.addi %add3A_157, %add3A_158 : i32
      %dma_start3A_160 = arith.constant 0 : i32
      %dma_start3A_161 = tpu.memref_slice %arg11[%add3A_159, %dma_start3A_160] : memref<182x56xi32, #tpu.memory_space<vmem>> -> memref<1x56xi32, #tpu.memory_space<vmem>>
      %dma_start3A_162 = tpu.memref_squeeze %dma_start3A_161 : memref<1x56xi32, #tpu.memory_space<vmem>> -> memref<56xi32, #tpu.memory_space<vmem>>
      %dma_start3A_163 = arith.constant 0 : i32
      %dma_start3A_164 = arith.constant 0 : i32
      %dma_start3A_165 = tpu.memref_slice %arg2[%dma_start3A_163, %dma_start3A_164] : memref<10240x128xbf16, #tpu.memory_space<hbm>> -> memref<10240x128xbf16, #tpu.memory_space<hbm>>
      tpu.enqueue_indirect_dma source(%dma_start3A_165 : memref<10240x128xbf16, #tpu.memory_space<hbm>>) target(%arg13 : memref<56x128xbf16, #tpu.memory_space<vmem>>) offsets(%dma_start3A_162 : memref<56xi32, #tpu.memory_space<vmem>>) semaphore(%arg17 : memref<!tpu.dma_semaphore, #tpu.memory_space<semaphore_mem>>)
      %dma_wait3A_166 = arith.constant 0 : i32
      %dma_wait3A_167 = tpu.memref_slice %arg12[%add3A_129, %dma_wait3A_166] : memref<182x56xi32, #tpu.memory_space<vmem>> -> memref<1x56xi32, #tpu.memory_space<vmem>>
      %dma_wait3A_168 = tpu.memref_squeeze %dma_wait3A_167 : memref<1x56xi32, #tpu.memory_space<vmem>> -> memref<56xi32, #tpu.memory_space<vmem>>
      %dma_wait3A_169 = arith.constant 0 : i32
      %dma_wait3A_170 = arith.constant 0 : i32
      %dma_wait3A_171 = tpu.memref_slice %arg10[%dma_wait3A_169, %dma_wait3A_170] : memref<10240x128xf32, #tpu.memory_space<vmem_shared>> -> memref<10240x128xf32, #tpu.memory_space<vmem_shared>>
      tpu.wait_indirect_dma semaphore(%arg20 : memref<!tpu.dma_semaphore, #tpu.memory_space<semaphore_mem>>) src(%arg16 : memref<56x128xf32, #tpu.memory_space<vmem>>) dst(%dma_wait3A_171 : memref<10240x128xf32, #tpu.memory_space<vmem_shared>>)
      %dma_wait3A_172 = arith.constant 0 : i32
      %dma_wait3A_173 = tpu.memref_slice %arg12[%add3A_137, %dma_wait3A_172] : memref<182x56xi32, #tpu.memory_space<vmem>> -> memref<1x56xi32, #tpu.memory_space<vmem>>
      %dma_wait3A_174 = tpu.memref_squeeze %dma_wait3A_173 : memref<1x56xi32, #tpu.memory_space<vmem>> -> memref<56xi32, #tpu.memory_space<vmem>>
      %dma_wait3A_175 = arith.constant 0 : i32
      %dma_wait3A_176 = arith.constant 0 : i32
      %dma_wait3A_177 = tpu.memref_slice %arg21[%dma_wait3A_175, %dma_wait3A_176] : memref<10240x16xi16, #tpu.memory_space<vmem_shared>> -> memref<10240x16xi16, #tpu.memory_space<vmem_shared>>
      tpu.wait_indirect_dma semaphore(%arg20 : memref<!tpu.dma_semaphore, #tpu.memory_space<semaphore_mem>>) src(%arg22 : memref<56x16xi16, #tpu.memory_space<vmem>>) dst(%dma_wait3A_177 : memref<10240x16xi16, #tpu.memory_space<vmem_shared>>)
      %add3A_178 = arith.constant 2 : i32
      %add3A_179 = arith.addi %mul3A_84, %add3A_178 : i32
      %add3A_180 = arith.constant 1 : i32
      %add3A_181 = arith.addi %add3A_179, %add3A_180 : i32
      %dma_start3A_182 = arith.constant 0 : i32
      %dma_start3A_183 = tpu.memref_slice %arg11[%add3A_181, %dma_start3A_182] : memref<182x56xi32, #tpu.memory_space<vmem>> -> memref<1x56xi32, #tpu.memory_space<vmem>>
      %dma_start3A_184 = tpu.memref_squeeze %dma_start3A_183 : memref<1x56xi32, #tpu.memory_space<vmem>> -> memref<56xi32, #tpu.memory_space<vmem>>
      %dma_start3A_185 = arith.constant 0 : i32
      %dma_start3A_186 = arith.constant 0 : i32
      %dma_start3A_187 = tpu.memref_slice %arg2[%dma_start3A_185, %dma_start3A_186] : memref<10240x128xbf16, #tpu.memory_space<hbm>> -> memref<10240x128xbf16, #tpu.memory_space<hbm>>
      tpu.enqueue_indirect_dma source(%dma_start3A_187 : memref<10240x128xbf16, #tpu.memory_space<hbm>>) target(%arg14 : memref<56x128xbf16, #tpu.memory_space<vmem>>) offsets(%dma_start3A_184 : memref<56xi32, #tpu.memory_space<vmem>>) semaphore(%arg18 : memref<!tpu.dma_semaphore, #tpu.memory_space<semaphore_mem>>)
    }
    %add3A_57 = arith.constant 0 : i32
    %add3A_58 = arith.addi %select_n3A, %add3A_57 : i32
    %dma_wait3A = arith.constant 0 : i32
    %dma_wait3A_59 = tpu.memref_slice %arg11[%add3A_58, %dma_wait3A] : memref<182x56xi32, #tpu.memory_space<vmem>> -> memref<1x56xi32, #tpu.memory_space<vmem>>
    %dma_wait3A_60 = tpu.memref_squeeze %dma_wait3A_59 : memref<1x56xi32, #tpu.memory_space<vmem>> -> memref<56xi32, #tpu.memory_space<vmem>>
    %dma_wait3A_61 = arith.constant 0 : i32
    %dma_wait3A_62 = arith.constant 0 : i32
    %dma_wait3A_63 = tpu.memref_slice %arg2[%dma_wait3A_61, %dma_wait3A_62] : memref<10240x128xbf16, #tpu.memory_space<hbm>> -> memref<10240x128xbf16, #tpu.memory_space<hbm>>
    tpu.wait_indirect_dma semaphore(%arg17 : memref<!tpu.dma_semaphore, #tpu.memory_space<semaphore_mem>>) src(%dma_wait3A_63 : memref<10240x128xbf16, #tpu.memory_space<hbm>>) dst(%arg13 : memref<56x128xbf16, #tpu.memory_space<vmem>>)
    %add3A_64 = arith.constant 1 : i32
    %add3A_65 = arith.addi %select_n3A, %add3A_64 : i32
    %dma_wait3A_66 = arith.constant 0 : i32
    %dma_wait3A_67 = tpu.memref_slice %arg11[%add3A_65, %dma_wait3A_66] : memref<182x56xi32, #tpu.memory_space<vmem>> -> memref<1x56xi32, #tpu.memory_space<vmem>>
    %dma_wait3A_68 = tpu.memref_squeeze %dma_wait3A_67 : memref<1x56xi32, #tpu.memory_space<vmem>> -> memref<56xi32, #tpu.memory_space<vmem>>
    %dma_wait3A_69 = arith.constant 0 : i32
    %dma_wait3A_70 = arith.constant 0 : i32
    %dma_wait3A_71 = tpu.memref_slice %arg2[%dma_wait3A_69, %dma_wait3A_70] : memref<10240x128xbf16, #tpu.memory_space<hbm>> -> memref<10240x128xbf16, #tpu.memory_space<hbm>>
    tpu.wait_indirect_dma semaphore(%arg18 : memref<!tpu.dma_semaphore, #tpu.memory_space<semaphore_mem>>) src(%dma_wait3A_71 : memref<10240x128xbf16, #tpu.memory_space<hbm>>) dst(%arg14 : memref<56x128xbf16, #tpu.memory_space<vmem>>)
    %barrier3A_72 = arith.constant 0 : index
    tpu.barrier barrier_id(%barrier3A_72)
    %mul3A_73 = arith.constant 10240 : i32
    %mul3A_74 = arith.muli %arg0, %mul3A_73 : i32
    %mul3A_75 = arith.constant 640 : i32
    %mul3A_76 = arith.muli %arg1, %mul3A_75 : i32
    %add3A_77 = arith.addi %mul3A_74, %mul3A_76 : i32
    %mul3A_78 = arith.constant 640 : i32
    %mul3A_79 = arith.muli %arg1, %mul3A_78 : i32
    "tpu.region"() ({
      %run_scoped3A = tpu.sem_alloc : memref<!tpu.dma_semaphore, #tpu.memory_space<semaphore_mem>>
      %dma_start3A_82 = arith.constant 0 : i32
      %dma_start3A_83 = tpu.memref_slice %arg8[%add3A_77, %dma_start3A_82] : memref<20480x128xf32, #tpu.memory_space<hbm>> -> memref<640x128xf32, #tpu.memory_space<hbm>>
      %dma_start3A_84 = arith.constant 0 : i32
      %dma_start3A_85 = tpu.memref_slice %arg10[%mul3A_79, %dma_start3A_84] : memref<10240x128xf32, #tpu.memory_space<vmem_shared>> -> memref<640x128xf32, #tpu.memory_space<vmem_shared>>
      tpu.enqueue_dma source(%dma_start3A_85 : memref<640x128xf32, #tpu.memory_space<vmem_shared>>) target(%dma_start3A_83 : memref<640x128xf32, #tpu.memory_space<hbm>>) target_semaphore(%run_scoped3A : memref<!tpu.dma_semaphore, #tpu.memory_space<semaphore_mem>>)
      %dma_wait3A_86 = arith.constant 0 : i32
      %dma_wait3A_87 = tpu.memref_slice %arg8[%add3A_77, %dma_wait3A_86] : memref<20480x128xf32, #tpu.memory_space<hbm>> -> memref<640x128xf32, #tpu.memory_space<hbm>>
      %dma_wait3A_88 = arith.constant 0 : i32
      %dma_wait3A_89 = tpu.memref_slice %arg10[%mul3A_79, %dma_wait3A_88] : memref<10240x128xf32, #tpu.memory_space<vmem_shared>> -> memref<640x128xf32, #tpu.memory_space<vmem_shared>>
      tpu.wait_dma2 semaphore(%run_scoped3A : memref<!tpu.dma_semaphore, #tpu.memory_space<semaphore_mem>>) src(%dma_wait3A_89 : memref<640x128xf32, #tpu.memory_space<vmem_shared>>) dst(%dma_wait3A_87 : memref<640x128xf32, #tpu.memory_space<hbm>>)
      tpu.yield
    }) : () -> ()
    %mul3A_80 = arith.constant 640 : i32
    %mul3A_81 = arith.muli %arg1, %mul3A_80 : i32
    "tpu.region"() ({
      %run_scoped3A = tpu.sem_alloc : memref<!tpu.dma_semaphore, #tpu.memory_space<semaphore_mem>>
      %dma_start3A_82 = arith.constant 0 : i32
      %dma_start3A_83 = tpu.memref_slice %arg9[%add3A_77, %dma_start3A_82] : memref<20480x16xi16, #tpu.memory_space<hbm>> -> memref<640x16xi16, #tpu.memory_space<hbm>>
      %dma_start3A_84 = arith.constant 0 : i32
      %dma_start3A_85 = tpu.memref_slice %arg21[%mul3A_81, %dma_start3A_84] : memref<10240x16xi16, #tpu.memory_space<vmem_shared>> -> memref<640x16xi16, #tpu.memory_space<vmem_shared>>
      tpu.enqueue_dma source(%dma_start3A_85 : memref<640x16xi16, #tpu.memory_space<vmem_shared>>) target(%dma_start3A_83 : memref<640x16xi16, #tpu.memory_space<hbm>>) target_semaphore(%run_scoped3A : memref<!tpu.dma_semaphore, #tpu.memory_space<semaphore_mem>>)
      %dma_wait3A_86 = arith.constant 0 : i32
      %dma_wait3A_87 = tpu.memref_slice %arg9[%add3A_77, %dma_wait3A_86] : memref<20480x16xi16, #tpu.memory_space<hbm>> -> memref<640x16xi16, #tpu.memory_space<hbm>>
      %dma_wait3A_88 = arith.constant 0 : i32
      %dma_wait3A_89 = tpu.memref_slice %arg21[%mul3A_81, %dma_wait3A_88] : memref<10240x16xi16, #tpu.memory_space<vmem_shared>> -> memref<640x16xi16, #tpu.memory_space<vmem_shared>>
      tpu.wait_dma2 semaphore(%run_scoped3A : memref<!tpu.dma_semaphore, #tpu.memory_space<semaphore_mem>>) src(%dma_wait3A_89 : memref<640x16xi16, #tpu.memory_space<vmem_shared>>) dst(%dma_wait3A_87 : memref<640x16xi16, #tpu.memory_space<hbm>>)
      tpu.yield
    }) : () -> ()
    return
  }
}

module attributes {stable_mosaic.version = 14 : i64} {
  func.func @body(%arg0: i32, %arg1: memref<2x256x128xf32, #tpu.memory_space<vmem>>, %arg2: memref<2x256x16xi16, #tpu.memory_space<vmem>>, %arg3: memref<256x128xf32, #tpu.memory_space<vmem>>, %arg4: memref<128x128xf32, #tpu.memory_space<vmem>>, %arg5: memref<1x128xf32, #tpu.memory_space<vmem>>, %arg6: memref<128x48xf32, #tpu.memory_space<vmem>>, %arg7: memref<256x48xf32, #tpu.memory_space<vmem>>) attributes {dimension_semantics = [#tpu.dimension_semantics<arbitrary>], iteration_bounds = array<i64: 40>, scalar_prefetch = 0 : i64, scratch_operands = 0 : i64, tpu.core_type = #tpu.core_type<tc>, window_params = [{transform_indices = @transform_0, window_bounds = array<i64: 2, 256, 128>}, {transform_indices = @transform_1, window_bounds = array<i64: 2, 256, 16>}, {transform_indices = @transform_2, window_bounds = array<i64: 256, 128>}, {pipeline_mode = #tpu.pipeline_mode<synchronous>, transform_indices = @transform_3, window_bounds = array<i64: 128, 128>}, {pipeline_mode = #tpu.pipeline_mode<synchronous>, transform_indices = @transform_4, window_bounds = array<i64: 1, 128>}, {pipeline_mode = #tpu.pipeline_mode<synchronous>, transform_indices = @transform_5, window_bounds = array<i64: 128, 48>}, {transform_indices = @transform_6, window_bounds = array<i64: 256, 48>}]} {
    %get3A = arith.constant 0 : index
    %get3A_0 = arith.constant 0 : index
    %get3A_1 = arith.constant 0 : index
    %get3A_2 = vector.load %arg1[%get3A, %get3A_0, %get3A_1] : memref<2x256x128xf32, #tpu.memory_space<vmem>>, vector<1x256x128xf32>
    %get3A_3 = vector.shape_cast %get3A_2 : vector<1x256x128xf32> to vector<256x128xf32>
    %get3A_4 = arith.constant 1 : index
    %get3A_5 = arith.constant 0 : index
    %get3A_6 = arith.constant 0 : index
    %get3A_7 = vector.load %arg1[%get3A_4, %get3A_5, %get3A_6] : memref<2x256x128xf32, #tpu.memory_space<vmem>>, vector<1x256x128xf32>
    %get3A_8 = vector.shape_cast %get3A_7 : vector<1x256x128xf32> to vector<256x128xf32>
    %add3A = arith.addf %get3A_3, %get3A_8 : vector<256x128xf32>
    %get3A_9 = arith.constant 0 : index
    %get3A_10 = arith.constant 0 : index
    %get3A_11 = vector.load %arg3[%get3A_9, %get3A_10] : memref<256x128xf32, #tpu.memory_space<vmem>>, vector<256x128xf32>
    %add3A_12 = arith.addf %add3A, %get3A_11 : vector<256x128xf32>
    %get3A_13 = arith.constant 0 : index
    %get3A_14 = arith.constant 0 : index
    %get3A_15 = arith.constant 0 : index
    %get3A_16 = vector.load %arg2[%get3A_13, %get3A_14, %get3A_15] : memref<2x256x16xi16, #tpu.memory_space<vmem>>, vector<1x256x1xi16>
    %get3A_17 = vector.shape_cast %get3A_16 : vector<1x256x1xi16> to vector<256x1xi16>
    %get3A_18 = arith.constant 1 : index
    %get3A_19 = arith.constant 0 : index
    %get3A_20 = arith.constant 0 : index
    %get3A_21 = vector.load %arg2[%get3A_18, %get3A_19, %get3A_20] : memref<2x256x16xi16, #tpu.memory_space<vmem>>, vector<1x256x1xi16>
    %get3A_22 = vector.shape_cast %get3A_21 : vector<1x256x1xi16> to vector<256x1xi16>
    %add3A_23 = arith.addi %get3A_17, %get3A_22 : vector<256x1xi16>
    %convert_element_type3A = arith.sitofp %add3A_23 : vector<256x1xi16> to vector<256x1xf32>
    %add3A_24 = arith.constant 1.000000e+00 : f32
    %add3A_25 = vector.broadcast %add3A_24 : f32 to vector<256x1xf32>
    %add3A_26 = arith.addf %convert_element_type3A, %add3A_25 : vector<256x1xf32>
    %div3A = vector.broadcast %add3A_26 : vector<256x1xf32> to vector<256x128xf32>
    %div3A_27 = arith.divf %add3A_12, %div3A : vector<256x128xf32>
    %get3A_28 = arith.constant 0 : index
    %get3A_29 = arith.constant 0 : index
    %get3A_30 = vector.load %arg4[%get3A_28, %get3A_29] : memref<128x128xf32, #tpu.memory_space<vmem>>, vector<128x128xf32>
    %dot_general3A = arith.constant dense<0.000000e+00> : vector<256x128xf32>
    %dot_general3A_31 = tpu.matmul %div3A_27, %get3A_30, %dot_general3A {dimension_numbers = #tpu.dot_dimension_numbers<[1], [0], [0], [1], [0, 0, 1, 1], [], []>, transpose_lhs_hint = false} : vector<256x128xf32>, vector<128x128xf32>, vector<256x128xf32> -> vector<256x128xf32>
    %get3A_32 = arith.constant 0 : index
    %get3A_33 = arith.constant 0 : index
    %get3A_34 = vector.load %arg5[%get3A_32, %get3A_33] : memref<1x128xf32, #tpu.memory_space<vmem>>, vector<1x128xf32>
    %add3A_35 = vector.broadcast %get3A_34 : vector<1x128xf32> to vector<256x128xf32>
    %add3A_36 = arith.addf %dot_general3A_31, %add3A_35 : vector<256x128xf32>
    %max3A = arith.constant 0.000000e+00 : f32
    %max3A_37 = vector.broadcast %max3A : f32 to vector<256x128xf32>
    %max3A_38 = arith.maximumf %add3A_36, %max3A_37 : vector<256x128xf32>
    %get3A_39 = arith.constant 0 : index
    %get3A_40 = arith.constant 0 : index
    %get3A_41 = vector.load %arg6[%get3A_39, %get3A_40] : memref<128x48xf32, #tpu.memory_space<vmem>>, vector<128x48xf32>
    %dot_general3A_42 = arith.constant dense<0.000000e+00> : vector<256x48xf32>
    %dot_general3A_43 = tpu.matmul %max3A_38, %get3A_41, %dot_general3A_42 {dimension_numbers = #tpu.dot_dimension_numbers<[1], [0], [0], [1], [0, 0, 1, 1], [], []>, transpose_lhs_hint = false} : vector<256x128xf32>, vector<128x48xf32>, vector<256x48xf32> -> vector<256x48xf32>
    %swap3A = arith.constant 0 : index
    %swap3A_44 = arith.constant 0 : index
    %swap3A_45 = vector.load %arg7[%swap3A, %swap3A_44] : memref<256x48xf32, #tpu.memory_space<vmem>>, vector<256x48xf32>
    tpu.vector_store %arg7[%swap3A, %swap3A_44], %dot_general3A_43 {strides = array<i32>} : memref<256x48xf32, #tpu.memory_space<vmem>>, vector<256x48xf32>,
    return
  }
  func.func @transform_0(%arg0: i32) -> (i32, i32, i32) {
    %c0_i32 = arith.constant 0 : i32
    %c0_i32_0 = arith.constant 0 : i32
    %c0_i32_1 = arith.constant 0 : i32
    return %c0_i32, %arg0, %c0_i32_0 : i32, i32, i32
  }
  func.func @transform_1(%arg0: i32) -> (i32, i32, i32) {
    %c0_i32 = arith.constant 0 : i32
    %c0_i32_0 = arith.constant 0 : i32
    %c0_i32_1 = arith.constant 0 : i32
    return %c0_i32, %arg0, %c0_i32_0 : i32, i32, i32
  }
  func.func @transform_2(%arg0: i32) -> (i32, i32) {
    %c0_i32 = arith.constant 0 : i32
    %c0_i32_0 = arith.constant 0 : i32
    return %arg0, %c0_i32 : i32, i32
  }
  func.func @transform_3(%arg0: i32) -> (i32, i32) {
    %c0_i32 = arith.constant 0 : i32
    %c0_i32_0 = arith.constant 0 : i32
    %c0_i32_1 = arith.constant 0 : i32
    return %c0_i32, %c0_i32_0 : i32, i32
  }
  func.func @transform_4(%arg0: i32) -> (i32, i32) {
    %c0_i32 = arith.constant 0 : i32
    %c0_i32_0 = arith.constant 0 : i32
    %c0_i32_1 = arith.constant 0 : i32
    return %c0_i32, %c0_i32_0 : i32, i32
  }
  func.func @transform_5(%arg0: i32) -> (i32, i32) {
    %c0_i32 = arith.constant 0 : i32
    %c0_i32_0 = arith.constant 0 : i32
    %c0_i32_1 = arith.constant 0 : i32
    return %c0_i32, %c0_i32_0 : i32, i32
  }
  func.func @transform_6(%arg0: i32) -> (i32, i32) {
    %c0_i32 = arith.constant 0 : i32
    %c0_i32_0 = arith.constant 0 : i32
    return %arg0, %c0_i32 : i32, i32
  }
}

module attributes {stable_mosaic.version = 14 : i64} {
  func.func @body(%arg0: i32, %arg1: memref<2x400x48xf32, #tpu.memory_space<vmem>>, %arg2: memref<400x48xf32, #tpu.memory_space<vmem>>, %arg3: memref<2x400x16xi16, #tpu.memory_space<vmem>>, %arg4: memref<1x40xf32, #tpu.memory_space<vmem>>, %arg5: memref<400x40xf32, #tpu.memory_space<vmem>>) attributes {dimension_semantics = [#tpu.dimension_semantics<arbitrary>], iteration_bounds = array<i64: 25>, scalar_prefetch = 0 : i64, scratch_operands = 0 : i64, tpu.core_type = #tpu.core_type<tc>, window_params = [{transform_indices = @transform_0, window_bounds = array<i64: 2, 400, 48>}, {transform_indices = @transform_1, window_bounds = array<i64: 400, 48>}, {transform_indices = @transform_2, window_bounds = array<i64: 2, 400, 16>}, {pipeline_mode = #tpu.pipeline_mode<synchronous>, transform_indices = @transform_3, window_bounds = array<i64: 1, 40>}, {transform_indices = @transform_4, window_bounds = array<i64: 400, 40>}]} {
    %get3A = arith.constant 0 : index
    %get3A_0 = arith.constant 0 : index
    %get3A_1 = arith.constant 0 : index
    %get3A_2 = vector.load %arg1[%get3A, %get3A_0, %get3A_1] : memref<2x400x48xf32, #tpu.memory_space<vmem>>, vector<1x400x48xf32>
    %get3A_3 = vector.shape_cast %get3A_2 : vector<1x400x48xf32> to vector<400x48xf32>
    %get3A_4 = arith.constant 1 : index
    %get3A_5 = arith.constant 0 : index
    %get3A_6 = arith.constant 0 : index
    %get3A_7 = vector.load %arg1[%get3A_4, %get3A_5, %get3A_6] : memref<2x400x48xf32, #tpu.memory_space<vmem>>, vector<1x400x48xf32>
    %get3A_8 = vector.shape_cast %get3A_7 : vector<1x400x48xf32> to vector<400x48xf32>
    %add3A = arith.addf %get3A_3, %get3A_8 : vector<400x48xf32>
    %get3A_9 = arith.constant 0 : index
    %get3A_10 = arith.constant 0 : index
    %get3A_11 = vector.load %arg2[%get3A_9, %get3A_10] : memref<400x48xf32, #tpu.memory_space<vmem>>, vector<400x48xf32>
    %add3A_12 = arith.addf %add3A, %get3A_11 : vector<400x48xf32>
    %get3A_13 = arith.constant 0 : index
    %get3A_14 = arith.constant 0 : index
    %get3A_15 = arith.constant 0 : index
    %get3A_16 = vector.load %arg3[%get3A_13, %get3A_14, %get3A_15] : memref<2x400x16xi16, #tpu.memory_space<vmem>>, vector<1x400x1xi16>
    %get3A_17 = vector.shape_cast %get3A_16 : vector<1x400x1xi16> to vector<400x1xi16>
    %get3A_18 = arith.constant 1 : index
    %get3A_19 = arith.constant 0 : index
    %get3A_20 = arith.constant 0 : index
    %get3A_21 = vector.load %arg3[%get3A_18, %get3A_19, %get3A_20] : memref<2x400x16xi16, #tpu.memory_space<vmem>>, vector<1x400x1xi16>
    %get3A_22 = vector.shape_cast %get3A_21 : vector<1x400x1xi16> to vector<400x1xi16>
    %add3A_23 = arith.addi %get3A_17, %get3A_22 : vector<400x1xi16>
    %convert_element_type3A = arith.sitofp %add3A_23 : vector<400x1xi16> to vector<400x1xf32>
    %slice3A = vector.extract_strided_slice %add3A_12 {offsets = [0, 0], sizes = [400, 40], strides = [1, 1]} : vector<400x48xf32> to vector<400x40xf32>
    %add3A_24 = arith.constant 1.000000e+00 : f32
    %add3A_25 = vector.broadcast %add3A_24 : f32 to vector<400x1xf32>
    %add3A_26 = arith.addf %convert_element_type3A, %add3A_25 : vector<400x1xf32>
    %div3A = vector.broadcast %add3A_26 : vector<400x1xf32> to vector<400x40xf32>
    %div3A_27 = arith.divf %slice3A, %div3A : vector<400x40xf32>
    %get3A_28 = arith.constant 0 : index
    %get3A_29 = arith.constant 0 : index
    %get3A_30 = vector.load %arg4[%get3A_28, %get3A_29] : memref<1x40xf32, #tpu.memory_space<vmem>>, vector<1x40xf32>
    %add3A_31 = vector.broadcast %get3A_30 : vector<1x40xf32> to vector<400x40xf32>
    %add3A_32 = arith.addf %div3A_27, %add3A_31 : vector<400x40xf32>
    %reduce_max3A = arith.constant dense<0xFF800000> : vector<400xf32>
    %reduce_max3A_33 = vector.multi_reduction <maximumf>, %add3A_32, %reduce_max3A [1] : vector<400x40xf32> to vector<400xf32>
    %broadcast_in_dim3A = vector.shape_cast %reduce_max3A_33 : vector<400xf32> to vector<400x1xf32>
    %sub3A = vector.broadcast %broadcast_in_dim3A : vector<400x1xf32> to vector<400x40xf32>
    %sub3A_34 = arith.subf %add3A_32, %sub3A : vector<400x40xf32>
    %exp3A = math.exp %sub3A_34 : vector<400x40xf32>
    %sub3A_35 = vector.broadcast %broadcast_in_dim3A : vector<400x1xf32> to vector<400x40xf32>
    %sub3A_36 = arith.subf %add3A_32, %sub3A_35 : vector<400x40xf32>
    %reduce_sum3A = arith.constant dense<0.000000e+00> : vector<400xf32>
    %reduce_sum3A_37 = vector.multi_reduction <add>, %exp3A, %reduce_sum3A [1] : vector<400x40xf32> to vector<400xf32>
    %broadcast_in_dim3A_38 = vector.shape_cast %reduce_sum3A_37 : vector<400xf32> to vector<400x1xf32>
    %log3A = math.log %broadcast_in_dim3A_38 : vector<400x1xf32>
    %sub3A_39 = vector.broadcast %log3A : vector<400x1xf32> to vector<400x40xf32>
    %sub3A_40 = arith.subf %sub3A_36, %sub3A_39 : vector<400x40xf32>
    %swap3A = arith.constant 0 : index
    %swap3A_41 = arith.constant 0 : index
    %swap3A_42 = vector.load %arg5[%swap3A, %swap3A_41] : memref<400x40xf32, #tpu.memory_space<vmem>>, vector<400x40xf32>
    tpu.vector_store %arg5[%swap3A, %swap3A_41], %sub3A_40 {strides = array<i32>} : memref<400x40xf32, #tpu.memory_space<vmem>>, vector<400x40xf32>,
    return
  }
  func.func @transform_0(%arg0: i32) -> (i32, i32, i32) {
    %c0_i32 = arith.constant 0 : i32
    %c0_i32_0 = arith.constant 0 : i32
    %c0_i32_1 = arith.constant 0 : i32
    return %c0_i32, %arg0, %c0_i32_0 : i32, i32, i32
  }
  func.func @transform_1(%arg0: i32) -> (i32, i32) {
    %c0_i32 = arith.constant 0 : i32
    %c0_i32_0 = arith.constant 0 : i32
    return %arg0, %c0_i32 : i32, i32
  }
  func.func @transform_2(%arg0: i32) -> (i32, i32, i32) {
    %c0_i32 = arith.constant 0 : i32
    %c0_i32_0 = arith.constant 0 : i32
    %c0_i32_1 = arith.constant 0 : i32
    return %c0_i32, %arg0, %c0_i32_0 : i32, i32, i32
  }
  func.func @transform_3(%arg0: i32) -> (i32, i32) {
    %c0_i32 = arith.constant 0 : i32
    %c0_i32_0 = arith.constant 0 : i32
    %c0_i32_1 = arith.constant 0 : i32
    return %c0_i32, %c0_i32_0 : i32, i32
  }
  func.func @transform_4(%arg0: i32) -> (i32, i32) {
    %c0_i32 = arith.constant 0 : i32
    %c0_i32_0 = arith.constant 0 : i32
    return %arg0, %c0_i32 : i32, i32
  }
}

</mosaic_0001>

<sc_bundles>
// kernel: kernel.6.cloned.1.call-start
scs
__scs_entry_jumppad:
0x0: {  	(pc) =	sbr.rel $0x88, $3  }
0x1: {  	(tag) =	ssettag $0x0;
	lr =	simm.s32 $0x1  }
0x2: {  	[smem:$0x3F9B] =	sst lr;
	_ =	strace $0xD0000000  }
0x3: {  	_ = 	snop  }
0x4: {  	_ = 	snop  }
0x5: {  	_ = 	snop  }
0x6: {  	_ = 	snop  }
0x7: {  	_ = 	snop  }
__scs_overlays_trampoline_lowered:
0x8: {  	[smem:$0x3FAA] =	sst s0  }
0x9: {  	[smem:$0x3FAB] =	sst s1  }
0xa: {  	[smem:$0x3FAC] =	sst s2  }
0xb: {  	[smem:$0x3FAD] =	sst s3  }
0xc: {  	[smem:$0x3FAE] =	sst s4  }
0xd: {  	[smem:$0x3FAF] =	sst s5  }
0xe: {  	[smem:$0x3FB0] =	sst s6  }
0xf: {  	[smem:$0x3FB1] =	sst s7  }
0x10: {  	[smem:$0x3FB2] =	sst s8  }
0x11: {  	[smem:$0x3FB3] =	sst s9;
	s0 =	simm.s32 @!p0 $0x0  }
0x12: {  	s1 =	sld [smem:$0x3F99];
	s0 =	simm.s32 @p0 $0x1  }
0x13: {  	[smem:$0x3FB4] =	sst s0;
	s0 =	simm.s32 @!p1 $0x0  }
0x14: {  	s2 =	sld [smem:$0x3F98];
	s0 =	simm.s32 @p1 $0x1  }
0x15: {  	[smem:$0x3FB5] =	sst s0;
	s0 =	simm.s32 @!p2 $0x0  }
0x16: {  	s3 =	sld [smem:$0x3FDB];
	s0 =	simm.s32 @p2 $0x1  }
0x17: {  	s4 =	simm.s32 $0x1BF5;
	[smem:$0x3FB7] =	sst s0  }
0x18: {  	s0 =	sld [smem:$0x3F9A];
	_ =	swait.ge [sflag:s4], $0x0  }
0x19: {  	s7 =	sld [smem:$0x3F9B]  }
0x1a: {  	s8 =	sadd.s32 $0xFFFFE003, lr  }
0x1b: {  	s9 =	sadd.s32 $0xFFFFFEF7, lr;
	s5 =	simm.s32 $0xFFFFFFFF;
	p2 =	slt.u32 s8, $0xFFFFF086  }
0x1c: {  	p1 =	slt.u32 s9, $0xF7A;
	s5 =	simm.s32 @!p2 $0x0  }
0x1d: {  	s5 =	simm.s32 @p1 $0x1;
	p0 =	seq.s32 s7, s2  }
0x1e: {  	s7 =	smul.u32 @!p0 $0xF7A, s2;
	p2 =	seq.s32 @!p0 s5, $0x0  }
0x1f: {  	s9 =	smul.u32 $0xF7A, s1;
	s8 =	simm.s32 @!p0 $0x1BF5;
	p2 =	por !p2, p0  }
0x20: {  	[sflag:s8] =	ssyncset.s32 @!p0 $0xFFFFF086;
	s6 =	sadd.s32 @!p0 s3, s7;
	s7 =	simm.s32 @!p0 $0x108  }
0x21: {  	s3 =	sadd.s32 s3, s9;
	s6 =	sadd.s32 @!p0 $0x88, s6;
	s7 =	simm.s32 @p2 $0x1082  }
0x22: {  	[simem:s7], [sflag:s8] =	dma.local @!p0 [hbm:s6], $0xF7A  }
0x23: {  	s9 =	sor.u32 $0xD0000000, s2;
	s6 =	simm.s32 $0x108;
	_ =	swait.ge @!p0 [sflag:s8], $0x0  }
0x24: {  	s3 =	sadd.s32 $0x88, s3;
	s6 =	simm.s32 @!p1 $0x1082;
	[sflag:s4] =	ssyncset.s32 $0xFFFFF086  }
0x25: {  	[simem:s6], [sflag:s4] =	dma.local [hbm:s3], $0xF7A  }
0x26: {  	[smem:$0x3F9B] =	sst s1;
	(tag) =	ssettag s2;
	_ =	strace s9  }
0x27: {  	s1 =	sld [smem:$0x3FAB]  }
0x28: {  	s2 =	sld [smem:$0x3FAC]  }
0x29: {  	s4 =	sld [smem:$0x3FAE]  }
0x2a: {  	p0 =	seq.s32 s5, $0x0;
	s5 =	sld [smem:$0x3FAF]  }
0x2b: {  	s6 =	sld [smem:$0x3FB0]  }
0x2c: {  	s7 =	sld [smem:$0x3FB1]  }
0x2d: {  	s3 =	simm.s32 $0x108;
	s8 =	sld [smem:$0x3FB2]  }
0x2e: {  	s3 =	simm.s32 @!p0 $0x1082;
	s9 =	sld [smem:$0x3FB3]  }
0x2f: {  	lr =	sadd.s32 s0, s3;
	s0 =	sld [smem:$0x3FAA]  }
0x30: {  	s3 =	sld [smem:$0x3FAD]  }
0x31: {  	[smem:$0x3FB6] =	sst s10  }
0x32: {  	s10 =	sld [smem:$0x3FB4];
	_ =	sdelay $0x3  }
0x33: {  	p0 =	seq.s32 s10, $0x1;
	s10 =	sld [smem:$0x3FB6];
	_ =	sdelay $0x3  }
0x34: {  	[smem:$0x3FB6] =	sst s10  }
0x35: {  	s10 =	sld [smem:$0x3FB5];
	_ =	sdelay $0x3  }
0x36: {  	p1 =	seq.s32 s10, $0x1;
	s10 =	sld [smem:$0x3FB6];
	_ =	sdelay $0x3  }
0x37: {  	[smem:$0x3FB6] =	sst s10  }
0x38: {  	s10 =	sld [smem:$0x3FB7]  }
0x39: {  	_ = 	snop;
	(pc) =	sbr.ind lr, $3  }
0x3a: {  	_ = 	snop  }
0x3b: {  	_ = 	snop  }
0x3c: {  	p2 =	seq.s32 s10, $0x1;
	s10 =	sld [smem:$0x3FB6]  }
0x3d: {  	_ =	shalt  }
0x3e: {  	_ =	shalt  }
0x3f: {  	_ =	shalt  }
0x40: {  	_ =	shalt  }
0x41: {  	_ =	shalt  }
0x42: {  	_ =	shalt  }
0x43: {  	_ =	shalt  }
0x44: {  	_ =	shalt  }
0x45: {  	_ =	shalt  }
0x46: {  	_ =	shalt  }
0x47: {  	_ =	shalt  }
0x48: {  	_ =	shalt  }
0x49: {  	_ =	shalt  }
0x4a: {  	_ =	shalt  }
0x4b: {  	_ =	shalt  }
0x4c: {  	_ =	shalt  }
0x4d: {  	_ =	shalt  }
0x4e: {  	_ =	shalt  }
0x4f: {  	_ =	shalt  }
0x50: {  	_ =	shalt  }
0x51: {  	_ =	shalt  }
0x52: {  	_ =	shalt  }
0x53: {  	_ =	shalt  }
0x54: {  	_ =	shalt  }
0x55: {  	_ =	shalt  }
0x56: {  	_ =	shalt  }
0x57: {  	_ =	shalt  }
0x58: {  	_ =	shalt  }
0x59: {  	_ =	shalt  }
0x5a: {  	_ =	shalt  }
0x5b: {  	_ =	shalt  }
0x5c: {  	_ =	shalt  }
0x5d: {  	_ =	shalt  }
0x5e: {  	_ =	shalt  }
0x5f: {  	_ =	shalt  }
0x60: {  	_ =	shalt  }
0x61: {  	_ =	shalt  }
0x62: {  	_ =	shalt  }
0x63: {  	_ =	shalt  }
0x64: {  	_ =	shalt  }
0x65: {  	_ =	shalt  }
0x66: {  	_ =	shalt  }
0x67: {  	_ =	shalt  }
0x68: {  	_ =	shalt  }
0x69: {  	_ =	shalt  }
0x6a: {  	_ =	shalt  }
0x6b: {  	_ =	shalt  }
0x6c: {  	_ =	shalt  }
0x6d: {  	_ =	shalt  }
0x6e: {  	_ =	shalt  }
0x6f: {  	_ =	shalt  }
0x70: {  	_ =	shalt  }
0x71: {  	_ =	shalt  }
0x72: {  	_ =	shalt  }
0x73: {  	_ =	shalt  }
0x74: {  	_ =	shalt  }
0x75: {  	_ =	shalt  }
0x76: {  	_ =	shalt  }
0x77: {  	_ =	shalt  }
0x78: {  	_ =	shalt  }
0x79: {  	_ =	shalt  }
0x7a: {  	_ =	shalt  }
0x7b: {  	_ =	shalt  }
0x7c: {  	_ =	shalt  }
0x7d: {  	_ =	shalt  }
0x7e: {  	_ =	shalt  }
0x7f: {  	_ =	shalt  }
0x80: {  	_ =	shalt  }
0x81: {  	_ =	shalt  }
0x82: {  	_ =	shalt  }
0x83: {  	_ =	shalt  }
0x84: {  	_ =	shalt  }
0x85: {  	_ =	shalt  }
0x86: {  	_ =	shalt  }
0x87: {  	_ =	shalt  }
.Lfunc_end0:
.L_simem_size_0:
called_computation_lowered:
.L_overlay_start_0:
0x88: {  	s2 =	sld [smem:$0x3FD9]  }
0x89: {  	s3 =	sld [smem:$0x3FFE];
	_ =	sdelay $0x1  }
0x8a: {  	s1 =	srdreg.scid  }
0x8b: {  	s0 =	sand.u32 $0x1, s1  }
0x8c: {  	s16 =	sshll.u32 s0, $0xA;
	s2 =	sadd.s32 s3, s2  }
0x8d: {  	s2 =	sadd.s32 s2, s16  }
0x8e: {  	[smem:$0x3FC2] =	sst s2  }
0x8f: {  	_ = 	snop  }
0x90: {  	(tm) =	ssettm $0x1  }
0x91: {  	s17 =	sld [smem:$0x3FFB];
	_ =	sdelay $0x3  }
0x92: {  	_ =	strace s17  }
0x93: {  	s2 =	sld [smem:$0x3FFC];
	_ =	sdelay $0x3  }
0x94: {  	_ =	strace s2  }
0x95: {  	s2 =	sld [smem:$0x3FFD];
	_ =	sdelay $0x3  }
0x96: {  	_ =	strace s2  }
0x97: {  	_ =	strace $0x8FFFFFFF  }
0x98: {  	s18 =	sld [smem:$0x3FDB];
	_ =	sdelay $0x1  }
0x99: {  	s19 =	simm.s32 $_scs_section_size  }
0x9a: {  	s4 =	simm.s32 $_size__tile_overlayer_lowered;
	s5 =	simm.s32 $_tile_overlayer_lowered  }
0x9b: {  	s22 =	simm.s32 $0x1BFF;
	s21 =	sshll.u32 s5, $0x1;
	s2 =	sadd.s32 s19, s18  }
0x9c: {  	s6 =	simm.s32 $0x0;
	s20 =	sshll.u32 s4, $0x1;
	s4 =	sadd.s32 s21, s2  }
0x9d: {  	[timem:s6], [sflag:s22] =	dma.local [hbm:s4], s20  }
0x9e: {  	_ =	swait.ge [sflag:s22], s20  }
0x9f: {  	s3 =	ssub.s32 $0x0, s20;
	[sflag:s22] =	ssyncset.done $0x0  }
0xa0: {  	[sflag:s22] =	ssyncadd.s32 s3;
	_ =	sdelay $0x1  }
0xa1: {  	s23 =	simm.s32 $0x1B8B  }
0xa2: {  	_ =	swait.ge [sflag:s23], $0x1  }
0xa3: {  	[sflag:s23] =	ssyncset.done $0x0  }
0xa4: {  	s25 =	simm.s32 $0x1B8E;
	s24 =	sld [smem:$0x3FFE];
	[sflag:s23] =	ssyncadd.s32 $0xFFFFFFFF  }
0xa5: {  	s26 =	simm.s32 $execute0_lowered;
	[smem:$0x3FD2] =	sst s25  }
0xa6: {  	s4 =	sshll.u32 s26, $0x1;
	_ =	strace $0x80000046;
	[dreg:$0x1] =	wrdreg $0xFFFFFFFF  }
0xa7: {  	s28 =	simm.s32 $_size_execute0_lowered;
	s2 =	sadd.s32 s2, s4;
	[dreg:$0x0] =	wrdreg $0x0  }
0xa8: {  	s4 =	sshll.u32 s28, $0x1;
	[dreg:$0x2] =	wrdreg s2  }
0xa9: {  	[dreg:$0x3] =	wrdreg s4  }
0xaa: {  	[dreg:$0x4] =	wrdreg $0xC0  }
0xab: {  	_ =	task [dreg:s6], $0x5FFFF  }
0xac: {  	[dreg:$0x1] =	wrdreg $0xFFFFFFFF  }
0xad: {  	[dreg:$0x0] =	wrdreg $0x60  }
0xae: {  	[dreg:$0x2] =	wrdreg s24  }
0xaf: {  	[dreg:$0x3] =	wrdreg $0x0  }
0xb0: {  	[dreg:$0x4] =	wrdreg $0x1E3A00  }
0xb1: {  	[dreg:$0x5] =	wrdreg $0x9  }
0xb2: {  	_ =	task.clear_ibuf [dreg:s6], $0x6FFFF;
	_ =	strace $0x90000046  }
0xb3: {  	s29 =	simm.s32 $0x9;
	_ =	strace $0x80000048  }
0xb4: {  	_ =	swait.ge [sflag:s29], $0x1  }
0xb5: {  	[sflag:s29] =	ssyncadd.s32 $0xFFFFFFFF  }
0xb6: {  	_ =	strace $0x90000048  }
0xb7: {  	_ =	sfence  }
0xb8: {  	s30 =	sld [smem:$0x0];
	_ =	sdelay $0x2  }
0xb9: {  	s31 =	sshll.u32 s1, $0xD;
	s1 =	sshrl.u32 s1, $0x2  }
0xba: {  	s3 =	sand.u32 $0x4000, s31;
	s1 =	sadd.s32 s1, s30  }
0xbb: {  	s0 =	sor.u32 s3, s0;
	s1 =	sshll.u32 s1, $0x11  }
0xbc: {  	s0 =	sor.u32 s1, s0  }
0xbd: {  	s0 =	sadd.s32 $0x8F2B, s0  }
0xbe: {  	[sflag:s0] =	ssyncadd.remote.s32 $0x1  }
0xbf: {  	_ =	sfence.sel $0xFFFF  }
0xc0: {  	[dreg:$0x0] =	wrdreg $0xFFFFFFFF;
	(pc) =	sbr.abs _section_cstart, $3  }
0xc1: {  	[dreg:$0x1] =	wrdreg $0xFFFFFFFF  }
0xc2: {  	_ =	task.clear_ibuf [dreg:s6], $0x2FFFF;
	_ =	strace $0x9FFFFFFF  }
0xc3: {  	(tm) =	ssettm $0x7FFFFFFF  }
tec
execute0_lowered:
.L_overlay_start_1:
0x0: {  	(tag) =	ssettag $0x1  }
0x1: {  	s16 =	stileid.u32;
	s6 =	rddreg [dreg:$0x0]  }
0x2: {  	s0 =	srdreg.scid;
	s2 =	rddreg [dreg:$0x1]  }
0x3: {  	s4 =	simm.s32 $0x0;
	s14 =	simm.s32 $0x14000;
	s15 =	simm.s32 $0x5  }
0x4: {  	s28 =	simm.s32 $0x2;
	s29 =	simm.s32 $0x1C7A0;
	s1 =	smul.u32 $0xB4, s16  }
0x5: {  	s30 =	simm.s32 $0x3;
	s31 =	simm.s32 $0x4;
	s7 =	smul.u32 $0x14000, s16  }
0x6: {  	s0 =	sand.u32 $0x1, s0;
	s10 =	smul.u32 $0x2800, s16;
	[smem:$0x7FF] =	sst s4  }
0x7: {  	s8 =	smul.u32 $0x280, s16;
	s5 =	sadd.s32 $0x17000, s6;
	s20 =	sadd.s32 $0x16E00, s6  }
0x8: {  	s26 =	sshll.u32 s16, $0x6;
	p0 =	seq.s32 s0, $0x0;
	s9 =	smul.u32 $0x2800, s0  }
0x9: {  	s0 =	ssub.s32 $0x2, s0;
	s17 =	sor.u32 $0x1C05, s26;
	s26 =	simm.s32 $0x1ABA0  }
0xa: {  	s3 =	sadd.s32 $0xB40, s1;
	s11 =	sshrl.u32 s7, $0x3;
	s12 =	sshrl.u32 s10, $0x4  }
0xb: {  	s22 =	sshrl.u32 s0, $0x1;
	s24 =	sadd.s32 s7, s2;
	s25 =	sshrl.u32 s10, $0x1  }
0xc: {  	s3 =	smov.u32 @p0 s1;
	s11 =	sadd.s32 s11, s6;
	s12 =	sadd.s32 s12, s6  }
0xd: {  	s8 =	sadd.s32 s8, s9;
	s0 =	ssub.s32 s0, s22;
	s18 =	sshrl.u32 s24, $0x3  }
0xe: {  	s22 =	simm.s32 $0x18FA0;
	s1 =	smul.u32 $0x7, s3;
	s3 =	rddreg [dreg:$0x2]  }
0xf: {  	s24 =	simm.s32 $0x19DA0;
	_ =	strace $0x80000047;
	[dreg:$0x4] =	wrdreg s20  }
0x10: {  	s21 =	sshll.u32 s8, $0x4;
	s9 =	sadd.s32 $0x2B000, s11;
	s10 =	sadd.s32 $0x14600, s12  }
0x11: {  	s20 =	simm.s32 $0x1F7A0;
	s13 =	sadd.s32 s21, s6;
	s7 =	sadd.s32 s25, s3  }
0x12: {  	s21 =	simm.s32 $0x38;
	s25 =	simm.s32 $0x1;
	s1 =	sadd.s32 s1, s6  }
0x13: {  	s6 =	sadd.s32 s8, s6;
	s11 =	sadd.s32 $0x58000, s13;
	s13 =	smax.u32 s0, $0x1  }
0x14: {  	s19 =	sshrl.u32 s7, $0x3;
	s23 =	sadd.s32 $0xA800, s1;
	s8 =	sadd.s32 $0xA00, s1  }
0x15: {  	s12 =	sadd.s32 $0x53000, s6;
	s1 =	simm.s32 $0x0;
	[dreg:$0x5] =	wrdreg s23  }
.LBB2_1:
0x16: {  	s0 =	rddreg [dreg:$0x5]  }
0x17: {  	[tilespmem:s14], [sflag:$0x5] =	stream.linear.gather [hbm4b:s0+s4], $0x27D0, $0x38;
	[tilespmem:$0x1F960] =	vst v63  }
0x18: {  	_ =	swait.ge [sflag:s15], $0x27D0  }
0x19: {  	[sflag:s15] =	ssyncset.done $0x0  }
0x1a: {  	s7 =	simm.s32 $0x167D0;
	[sflag:s15] =	ssyncadd.s32 $0xFFFFD830  }
0x1b: {  	[tilespmem:s7], [sflag:$0x5] =	stream.linear.gather [hbm4b:s8+s4], $0x27D0, $0x38;
	[tilespmem:$0x1F960] =	vst v63  }
0x1c: {  	_ =	swait.ge [sflag:s15], $0x27D0  }
0x1d: {  	[sflag:s15] =	ssyncset.done $0x0  }
0x1e: {  	[sflag:s15] =	ssyncadd.s32 $0xFFFFD830  }
0x1f: {  	[spmem:s18], [sflag:s17] =	dma.local [hbm:s9], $0x2800  }
0x20: {  	_ =	swait.ge [sflag:s15], $0x2800  }
0x21: {  	[sflag:s15] =	ssyncset.done $0x0  }
0x22: {  	[sflag:s15] =	ssyncadd.s32 $0xFFFFD800  }
0x23: {  	[spmem:s19], [sflag:s17] =	dma.local [hbm:s10], $0x280  }
0x24: {  	_ =	swait.ge [sflag:s15], $0x280  }
0x25: {  	[sflag:s15] =	ssyncset.done $0x0  }
0x26: {  	s16 =	rddreg [dreg:$0x4];
	[sflag:s15] =	ssyncadd.s32 $0xFFFFFD80  }
0x27: {  	[tilespmem:s20], [sflag:$0x5] =	stream.linear.gather [hbm4b:s16+s4], $0x1C0, $0x38;
	[tilespmem:$0x1F960] =	vst v63  }
0x28: {  	_ =	swait.ge [sflag:s15], $0x1C0  }
0x29: {  	[sflag:s15] =	ssyncset.done $0x0  }
0x2a: {  	[sflag:s15] =	ssyncadd.s32 $0xFFFFFE40  }
0x2b: {  	[bflag:$0x0] =	sbarrier.arrive $0xFFFF  }
0x2c: {  	[tilespmem:s22], [sflag:$0x1] =	stream.indirect.gather [hbm4b:s5+s21], $0x40, s14, s21, $0xb8;
	[tilespmem:$0x1F960] =	vst v63  }
0x2d: {  	s23 =	simm.s32 $0x14038;
	s0 =	simm.s32 $0x0  }
0x2e: {  	[tilespmem:s24], [sflag:$0x2] =	stream.indirect.gather [hbm4b:s5+s21], $0x40, s23, s21, $0xb8;
	[tilespmem:$0x1F960] =	vst v63  }
.LBB2_2:
0x2f: {  	_ =	swait.ge [sflag:s25], $0xE00  }
0x30: {  	[sflag:s25] =	ssyncset.done $0x0  }
0x31: {  	s6 =	simm.s32 $0x0;
	[sflag:s25] =	ssyncadd.s32 $0xFFFFF200  }
0x32: {  	v0 =	vld [tilespmem:s6+$0x18FA0];
	_ =	sdelay $0x4  }
0x33: {  	s16 =	simm.s32 $0x1ABE0;
	v1 =	vunpack.i.l.bf16.f32 v0  }
0x34: {  	v0 =	vunpack.i.u.bf16.f32 v0;
	[tilespmem:s16+$0xFFFFFFC0] =	vst v1  }
0x35: {  	[tilespmem:s16+$0xFFFFFFD0] =	vst v0  }
0x36: {  	v0 =	vld [tilespmem:s6+$0x18FB0];
	_ =	sdelay $0x4  }
0x37: {  	v1 =	vunpack.i.l.bf16.f32 v0  }
0x38: {  	v0 =	vunpack.i.u.bf16.f32 v0;
	[tilespmem:s16+$0xFFFFFFE0] =	vst v1  }
0x39: {  	[tilespmem:s16+$0xFFFFFFF0] =	vst v0  }
0x3a: {  	v0 =	vld [tilespmem:s6+$0x18FC0];
	_ =	sdelay $0x4  }
0x3b: {  	v1 =	vunpack.i.u.bf16.f32 v0  }
0x3c: {  	v0 =	vunpack.i.l.bf16.f32 v0;
	[tilespmem:s16+$0x10] =	vst v1  }
0x3d: {  	[tilespmem:s16+$0x0] =	vst v0  }
0x3e: {  	v0 =	vld [tilespmem:s6+$0x18FD0];
	_ =	sdelay $0x4  }
0x3f: {  	v1 =	vunpack.i.l.bf16.f32 v0  }
0x40: {  	v0 =	vunpack.i.u.bf16.f32 v0;
	[tilespmem:s16+$0x20] =	vst v1  }
0x41: {  	s23 =	simm.s32 $0x40;
	[tilespmem:s16+$0x30] =	vst v0  }
0x42: {  	v0 =	vld [tilespmem:s23+$0x18FA0]  }
0x43: {  	s6 =	simm.s32 $0x200  }
.LBB2_3:
0x44: {  	p0 =	sne.s32 s6, $0x3700;
	_ =	sdelay $0x2  }
0x45: {  	s16 =	sadd.s32 $0x80, s16;
	v1 =	vunpack.i.l.bf16.f32 v0  }
0x46: {  	v0 =	vunpack.i.u.bf16.f32 v0;
	[tilespmem:s16+$0xFFFFFFC0] =	vst v1  }
0x47: {  	[tilespmem:s16+$0xFFFFFFD0] =	vst v0  }
0x48: {  	v0 =	vld [tilespmem:s23+$0x18FB0];
	_ =	sdelay $0x4  }
0x49: {  	v1 =	vunpack.i.l.bf16.f32 v0  }
0x4a: {  	v0 =	vunpack.i.u.bf16.f32 v0;
	[tilespmem:s16+$0xFFFFFFE0] =	vst v1  }
0x4b: {  	[tilespmem:s16+$0xFFFFFFF0] =	vst v0  }
0x4c: {  	v0 =	vld [tilespmem:s23+$0x18FC0];
	_ =	sdelay $0x4  }
0x4d: {  	v1 =	vunpack.i.u.bf16.f32 v0;
	v0 =	vunpack.i.l.bf16.f32 v0  }
0x4e: {  	[tilespmem:s16+$0x10] =	vst v1  }
0x4f: {  	[tilespmem:s16+$0x0] =	vst v0  }
0x50: {  	v0 =	vld [tilespmem:s23+$0x18FD0];
	_ =	sdelay $0x4  }
.Ltmp0:
0x51: {  	v1 =	vunpack.i.u.bf16.f32 v0;
	v0 =	vunpack.i.l.bf16.f32 v0;
	(pc) =	sbr.rel @p0 .LBB2_3-.Ltmp0, $4  }
0x52: {  	[tilespmem:s16+$0x20] =	vst v0  }
0x53: {  	s23 =	sshra.s32 s6, $0x2;
	[tilespmem:s16+$0x30] =	vst v1  }
0x54: {  	v0 =	vld [tilespmem:s23+$0x18FA0]  }
0x55: {  	s6 =	sadd.s32 $0x100, s6  }
0x56: {  	_ =	sdelay $0x2  }
0x57: {  	s6 =	sadd.s32 $0x80, s16;
	v1 =	vunpack.i.l.bf16.f32 v0  }
0x58: {  	v0 =	vunpack.i.u.bf16.f32 v0;
	[tilespmem:s6+$0xFFFFFFC0] =	vst v1  }
0x59: {  	[tilespmem:s6+$0xFFFFFFD0] =	vst v0  }
0x5a: {  	v0 =	vld [tilespmem:s23+$0x18FB0];
	_ =	sdelay $0x4  }
0x5b: {  	v1 =	vunpack.i.l.bf16.f32 v0  }
0x5c: {  	v0 =	vunpack.i.u.bf16.f32 v0;
	[tilespmem:s6+$0xFFFFFFE0] =	vst v1  }
0x5d: {  	[tilespmem:s6+$0xFFFFFFF0] =	vst v0  }
0x5e: {  	v0 =	vld [tilespmem:s23+$0x18FC0];
	_ =	sdelay $0x4  }
0x5f: {  	v1 =	vunpack.i.u.bf16.f32 v0  }
0x60: {  	v0 =	vunpack.i.l.bf16.f32 v0;
	[tilespmem:s6+$0x10] =	vst v1  }
0x61: {  	[tilespmem:s6+$0x0] =	vst v0  }
0x62: {  	v0 =	vld [tilespmem:s23+$0x18FD0];
	_ =	sdelay $0x3  }
0x63: {  	s7 =	smul.u32 $0x1C0, s0  }
0x64: {  	v1 =	vunpack.i.l.bf16.f32 v0  }
0x65: {  	s16 =	sshra.s32 s7, $0x2;
	v0 =	vunpack.i.u.bf16.f32 v0;
	[tilespmem:s6+$0x20] =	vst v1  }
0x66: {  	s23 =	sadd.s32 $0x167D0, s16;
	[tilespmem:s6+$0x30] =	vst v0  }
0x67: {  	[spmem:s2] =	stream.indirect.scatter.add.f32 [tilespmem:s26], [sflag:$0x3], $0x80, s23, s21, $0xb8;
	[tilespmem:$0x1F960] =	vst v63  }
0x68: {  	_ = 	snop  }
0x69: {  	[spmem:s3] =	stream.indirect.scatter.add.s16 [tilespmem:s20], [sflag:$0x3], $0x8, s23, s21, $0xb8;
	[tilespmem:$0x1F960] =	vst v63  }
0x6a: {  	_ =	swait.ge [sflag:s28], $0xE00  }
0x6b: {  	[sflag:s28] =	ssyncset.done $0x0  }
0x6c: {  	s7 =	simm.s32 $0x0;
	[sflag:s28] =	ssyncadd.s32 $0xFFFFF200  }
0x6d: {  	v0 =	vld [tilespmem:s7+$0x19DA0];
	_ =	sdelay $0x4  }
0x6e: {  	s23 =	simm.s32 $0x1C7E0;
	v1 =	vunpack.i.l.bf16.f32 v0  }
0x6f: {  	v0 =	vunpack.i.u.bf16.f32 v0;
	[tilespmem:s23+$0xFFFFFFC0] =	vst v1  }
0x70: {  	[tilespmem:s23+$0xFFFFFFD0] =	vst v0  }
0x71: {  	v0 =	vld [tilespmem:s7+$0x19DB0];
	_ =	sdelay $0x4  }
0x72: {  	v1 =	vunpack.i.l.bf16.f32 v0  }
0x73: {  	v0 =	vunpack.i.u.bf16.f32 v0;
	[tilespmem:s23+$0xFFFFFFE0] =	vst v1  }
0x74: {  	[tilespmem:s23+$0xFFFFFFF0] =	vst v0  }
0x75: {  	v0 =	vld [tilespmem:s7+$0x19DC0];
	_ =	sdelay $0x4  }
0x76: {  	v1 =	vunpack.i.u.bf16.f32 v0  }
0x77: {  	v0 =	vunpack.i.l.bf16.f32 v0;
	[tilespmem:s23+$0x10] =	vst v1  }
0x78: {  	[tilespmem:s23+$0x0] =	vst v0  }
0x79: {  	v0 =	vld [tilespmem:s7+$0x19DD0];
	_ =	sdelay $0x4  }
0x7a: {  	v1 =	vunpack.i.l.bf16.f32 v0  }
0x7b: {  	v0 =	vunpack.i.u.bf16.f32 v0;
	[tilespmem:s23+$0x20] =	vst v1  }
0x7c: {  	s6 =	simm.s32 $0x40;
	[tilespmem:s23+$0x30] =	vst v0  }
0x7d: {  	v0 =	vld [tilespmem:s6+$0x19DA0]  }
0x7e: {  	s7 =	simm.s32 $0x200  }
.LBB2_5:
0x7f: {  	p0 =	sne.s32 s7, $0x3700;
	_ =	sdelay $0x2  }
0x80: {  	s23 =	sadd.s32 $0x80, s23;
	v1 =	vunpack.i.l.bf16.f32 v0  }
0x81: {  	v0 =	vunpack.i.u.bf16.f32 v0;
	[tilespmem:s23+$0xFFFFFFC0] =	vst v1  }
0x82: {  	[tilespmem:s23+$0xFFFFFFD0] =	vst v0  }
0x83: {  	v0 =	vld [tilespmem:s6+$0x19DB0];
	_ =	sdelay $0x4  }
0x84: {  	v1 =	vunpack.i.l.bf16.f32 v0  }
0x85: {  	v0 =	vunpack.i.u.bf16.f32 v0;
	[tilespmem:s23+$0xFFFFFFE0] =	vst v1  }
0x86: {  	[tilespmem:s23+$0xFFFFFFF0] =	vst v0  }
0x87: {  	v0 =	vld [tilespmem:s6+$0x19DC0];
	_ =	sdelay $0x4  }
0x88: {  	v1 =	vunpack.i.u.bf16.f32 v0;
	v0 =	vunpack.i.l.bf16.f32 v0  }
0x89: {  	[tilespmem:s23+$0x10] =	vst v1  }
0x8a: {  	[tilespmem:s23+$0x0] =	vst v0  }
0x8b: {  	v0 =	vld [tilespmem:s6+$0x19DD0];
	_ =	sdelay $0x4  }
.Ltmp1:
0x8c: {  	v1 =	vunpack.i.u.bf16.f32 v0;
	v0 =	vunpack.i.l.bf16.f32 v0;
	(pc) =	sbr.rel @p0 .LBB2_5-.Ltmp1, $4  }
0x8d: {  	[tilespmem:s23+$0x20] =	vst v0  }
0x8e: {  	s6 =	sshra.s32 s7, $0x2;
	[tilespmem:s23+$0x30] =	vst v1  }
0x8f: {  	v0 =	vld [tilespmem:s6+$0x19DA0]  }
0x90: {  	s7 =	sadd.s32 $0x100, s7  }
0x91: {  	_ =	sdelay $0x2  }
0x92: {  	s7 =	sadd.s32 $0x80, s23;
	v1 =	vunpack.i.l.bf16.f32 v0  }
0x93: {  	v60 =	vunpack.i.u.bf16.f32 v0;
	[tilespmem:s7+$0xFFFFFFC0] =	vst v1  }
0x94: {  	[tilespmem:s7+$0xFFFFFFD0] =	vst v60  }
0x95: {  	v0 =	vld [tilespmem:s6+$0x19DB0];
	_ =	sdelay $0x4  }
0x96: {  	v61 =	vunpack.i.l.bf16.f32 v0  }
0x97: {  	v0 =	vunpack.i.u.bf16.f32 v0;
	[tilespmem:s7+$0xFFFFFFE0] =	vst v61  }
0x98: {  	[tilespmem:s7+$0xFFFFFFF0] =	vst v0  }
0x99: {  	v0 =	vld [tilespmem:s6+$0x19DC0];
	_ =	sdelay $0x4  }
0x9a: {  	v62 =	vunpack.i.u.bf16.f32 v0  }
0x9b: {  	v0 =	vunpack.i.l.bf16.f32 v0;
	[tilespmem:s7+$0x10] =	vst v62  }
0x9c: {  	[tilespmem:s7+$0x0] =	vst v0  }
0x9d: {  	v0 =	vld [tilespmem:s6+$0x19DD0];
	_ =	sdelay $0x4  }
0x9e: {  	v63 =	vunpack.i.l.bf16.f32 v0  }
0x9f: {  	v0 =	vunpack.i.u.bf16.f32 v0;
	[tilespmem:s7+$0x20] =	vst v63  }
0xa0: {  	s23 =	sadd.s32 $0x16808, s16;
	[tilespmem:s7+$0x30] =	vst v0  }
0xa1: {  	[spmem:s2] =	stream.indirect.scatter.add.f32 [tilespmem:s29], [sflag:$0x4], $0x80, s23, s21, $0xb8;
	[tilespmem:$0x1F960] =	vst v63  }
0xa2: {  	_ = 	snop  }
0xa3: {  	[spmem:s3] =	stream.indirect.scatter.add.s16 [tilespmem:s20], [sflag:$0x4], $0x8, s23, s21, $0xb8;
	[tilespmem:$0x1F960] =	vst v63  }
0xa4: {  	_ =	swait.ge [sflag:s30], $0x1C00  }
0xa5: {  	[sflag:s30] =	ssyncset.done $0x0  }
0xa6: {  	[sflag:s30] =	ssyncadd.s32 $0xFFFFE400  }
0xa7: {  	_ =	swait.ge [sflag:s30], $0x1C0  }
0xa8: {  	[sflag:s30] =	ssyncset.done $0x0  }
0xa9: {  	s7 =	sadd.s32 $0x14070, s16;
	[sflag:s30] =	ssyncadd.s32 $0xFFFFFE40  }
0xaa: {  	[tilespmem:s22], [sflag:$0x1] =	stream.indirect.gather [hbm4b:s5+s21], $0x40, s7, s21, $0xb8;
	[tilespmem:$0x1F960] =	vst v63  }
0xab: {  	s0 =	sadd.s32 $0x1, s0;
	_ =	swait.ge [sflag:s31], $0x1C00  }
0xac: {  	p0 =	sne.s32 s0, $0x5A;
	[sflag:s31] =	ssyncset.done $0x0  }
.Ltmp2:
0xad: {  	[sflag:s31] =	ssyncadd.s32 $0xFFFFE400;
	(pc) =	sbr.rel @p0 .LBB2_2-.Ltmp2, $4  }
0xae: {  	_ =	swait.ge [sflag:s31], $0x1C0  }
0xaf: {  	[sflag:s31] =	ssyncset.done $0x0  }
0xb0: {  	s23 =	sadd.s32 $0x140A8, s16;
	[sflag:s31] =	ssyncadd.s32 $0xFFFFFE40  }
0xb1: {  	[tilespmem:s24], [sflag:$0x2] =	stream.indirect.gather [hbm4b:s5+s21], $0x40, s23, s21, $0xb8;
	[tilespmem:$0x1F960] =	vst v63  }
0xb2: {  	_ =	swait.ge [sflag:s25], $0xE00  }
0xb3: {  	[sflag:s25] =	ssyncset.done $0x0  }
0xb4: {  	[sflag:s25] =	ssyncadd.s32 $0xFFFFF200  }
0xb5: {  	_ =	swait.ge [sflag:s28], $0xE00  }
0xb6: {  	[sflag:s28] =	ssyncset.done $0x0  }
0xb7: {  	[sflag:s28] =	ssyncadd.s32 $0xFFFFF200  }
0xb8: {  	[bflag:$0x0] =	sbarrier.arrive $0xFFFF  }
0xb9: {  	[hbm:s11], [sflag:s17] =	dma.local [spmem:s18], $0x2800  }
0xba: {  	s1 =	sadd.s32 $0x1, s1;
	_ =	swait.ge [sflag:s15], $0x2800  }
0xbb: {  	p0 =	sne.s32 s1, s13;
	[sflag:s15] =	ssyncset.done $0x0  }
.Ltmp3:
0xbc: {  	[sflag:s15] =	ssyncadd.s32 $0xFFFFD800;
	(pc) =	sbr.rel @p0 .LBB2_1-.Ltmp3, $4  }
0xbd: {  	[hbm:s12], [sflag:s17] =	dma.local [spmem:s19], $0x280  }
0xbe: {  	_ =	swait.ge [sflag:s15], $0x280  }
0xbf: {  	[sflag:s15] =	ssyncset.done $0x0  }
0xc0: {  	[sflag:s15] =	ssyncadd.s32 $0xFFFFFD80  }
0xc1: {  	_ =	sfence.sel $0x180000  }
0xc2: {  	[bflag:$0x0] =	sbarrier.arrive $0xFFFF  }
0xc3: {  	_ =	strace $0x90000047  }
0xc4: {  	s0 =	stileid.u32;
	[bflag:$0x2] =	sbarrier.arrive $0xFFFF  }
0xc5: {  	p0 =	sne.s32 s0, $0x0;
	s0 =	rddreg [dreg:$0x3]  }
0xc6: {  	s0 =	sadd.s32 @!p0 $0x100000, s0  }
0xc7: {  	[sflag:s0] =	ssyncadd.tile.s32 @!p0 $0x1;
	_ =	shalt  }
.Lfunc_end2:
_tile_overlayer_lowered:
.L_overlay_start_2:
0xc8: {  	(tag) =	ssettag $0x2  }
0xc9: {  	s0 =	rddreg [dreg:$0x0];
	s2 =	stileid.u32  }
0xca: {  	s1 =	rddreg [dreg:$0x1];
	p0 =	sne.s32 s2, $0x0  }
0xcb: {  	s3 =	rddreg [dreg:$0x2];
	[bflag:$0x3] =	sbarrier.arrive $0xFFFF;
	s2 =	simm.s32 @!p0 $0x1C05  }
0xcc: {  	[timem:s3], [sflag:s2] =	dma.local @!p0 [hbm:s0], s1  }
0xcd: {  	s0 =	simm.s32 @!p0 $0x5  }
0xce: {  	_ =	swait.ge @!p0 [sflag:s0], s1  }
0xcf: {  	s1 =	ssub.s32 @!p0 $0x0, s1;
	[sflag:s0] =	ssyncset.done @!p0 $0x0  }
0xd0: {  	[sflag:s0] =	ssyncadd.s32 @!p0 s1  }
0xd1: {  	[bflag:$0x3] =	sbarrier.arrive $0xFFFF  }
0xd2: {  	_ =	shalt  }

// kernel: kernel.9.cloned.1.call-start
scs
__scs_entry_jumppad:
0x0: {  	(pc) =	sbr.rel $0x88, $3  }
0x1: {  	(tag) =	ssettag $0x0;
	lr =	simm.s32 $0x1  }
0x2: {  	[smem:$0x3F9B] =	sst lr;
	_ =	strace $0xD0000000  }
0x3: {  	_ = 	snop  }
0x4: {  	_ = 	snop  }
0x5: {  	_ = 	snop  }
0x6: {  	_ = 	snop  }
0x7: {  	_ = 	snop  }
__scs_overlays_trampoline_lowered:
0x8: {  	[smem:$0x3FAA] =	sst s0  }
0x9: {  	[smem:$0x3FAB] =	sst s1  }
0xa: {  	[smem:$0x3FAC] =	sst s2  }
0xb: {  	[smem:$0x3FAD] =	sst s3  }
0xc: {  	[smem:$0x3FAE] =	sst s4  }
0xd: {  	[smem:$0x3FAF] =	sst s5  }
0xe: {  	[smem:$0x3FB0] =	sst s6  }
0xf: {  	[smem:$0x3FB1] =	sst s7  }
0x10: {  	[smem:$0x3FB2] =	sst s8  }
0x11: {  	[smem:$0x3FB3] =	sst s9;
	s0 =	simm.s32 @!p0 $0x0  }
0x12: {  	s1 =	sld [smem:$0x3F99];
	s0 =	simm.s32 @p0 $0x1  }
0x13: {  	[smem:$0x3FB4] =	sst s0;
	s0 =	simm.s32 @!p1 $0x0  }
0x14: {  	s2 =	sld [smem:$0x3F98];
	s0 =	simm.s32 @p1 $0x1  }
0x15: {  	[smem:$0x3FB5] =	sst s0;
	s0 =	simm.s32 @!p2 $0x0  }
0x16: {  	s3 =	sld [smem:$0x3FDB];
	s0 =	simm.s32 @p2 $0x1  }
0x17: {  	s4 =	simm.s32 $0x1BF5;
	[smem:$0x3FB7] =	sst s0  }
0x18: {  	s0 =	sld [smem:$0x3F9A];
	_ =	swait.ge [sflag:s4], $0x0  }
0x19: {  	s7 =	sld [smem:$0x3F9B]  }
0x1a: {  	s8 =	sadd.s32 $0xFFFFE003, lr  }
0x1b: {  	s9 =	sadd.s32 $0xFFFFFEF7, lr;
	s5 =	simm.s32 $0xFFFFFFFF;
	p2 =	slt.u32 s8, $0xFFFFF086  }
0x1c: {  	p1 =	slt.u32 s9, $0xF7A;
	s5 =	simm.s32 @!p2 $0x0  }
0x1d: {  	s5 =	simm.s32 @p1 $0x1;
	p0 =	seq.s32 s7, s2  }
0x1e: {  	s7 =	smul.u32 @!p0 $0xF7A, s2;
	p2 =	seq.s32 @!p0 s5, $0x0  }
0x1f: {  	s9 =	smul.u32 $0xF7A, s1;
	s8 =	simm.s32 @!p0 $0x1BF5;
	p2 =	por !p2, p0  }
0x20: {  	[sflag:s8] =	ssyncset.s32 @!p0 $0xFFFFF086;
	s6 =	sadd.s32 @!p0 s3, s7;
	s7 =	simm.s32 @!p0 $0x108  }
0x21: {  	s3 =	sadd.s32 s3, s9;
	s6 =	sadd.s32 @!p0 $0x88, s6;
	s7 =	simm.s32 @p2 $0x1082  }
0x22: {  	[simem:s7], [sflag:s8] =	dma.local @!p0 [hbm:s6], $0xF7A  }
0x23: {  	s9 =	sor.u32 $0xD0000000, s2;
	s6 =	simm.s32 $0x108;
	_ =	swait.ge @!p0 [sflag:s8], $0x0  }
0x24: {  	s3 =	sadd.s32 $0x88, s3;
	s6 =	simm.s32 @!p1 $0x1082;
	[sflag:s4] =	ssyncset.s32 $0xFFFFF086  }
0x25: {  	[simem:s6], [sflag:s4] =	dma.local [hbm:s3], $0xF7A  }
0x26: {  	[smem:$0x3F9B] =	sst s1;
	(tag) =	ssettag s2;
	_ =	strace s9  }
0x27: {  	s1 =	sld [smem:$0x3FAB]  }
0x28: {  	s2 =	sld [smem:$0x3FAC]  }
0x29: {  	s4 =	sld [smem:$0x3FAE]  }
0x2a: {  	p0 =	seq.s32 s5, $0x0;
	s5 =	sld [smem:$0x3FAF]  }
0x2b: {  	s6 =	sld [smem:$0x3FB0]  }
0x2c: {  	s7 =	sld [smem:$0x3FB1]  }
0x2d: {  	s3 =	simm.s32 $0x108;
	s8 =	sld [smem:$0x3FB2]  }
0x2e: {  	s3 =	simm.s32 @!p0 $0x1082;
	s9 =	sld [smem:$0x3FB3]  }
0x2f: {  	lr =	sadd.s32 s0, s3;
	s0 =	sld [smem:$0x3FAA]  }
0x30: {  	s3 =	sld [smem:$0x3FAD]  }
0x31: {  	[smem:$0x3FB6] =	sst s10  }
0x32: {  	s10 =	sld [smem:$0x3FB4];
	_ =	sdelay $0x3  }
0x33: {  	p0 =	seq.s32 s10, $0x1;
	s10 =	sld [smem:$0x3FB6];
	_ =	sdelay $0x3  }
0x34: {  	[smem:$0x3FB6] =	sst s10  }
0x35: {  	s10 =	sld [smem:$0x3FB5];
	_ =	sdelay $0x3  }
0x36: {  	p1 =	seq.s32 s10, $0x1;
	s10 =	sld [smem:$0x3FB6];
	_ =	sdelay $0x3  }
0x37: {  	[smem:$0x3FB6] =	sst s10  }
0x38: {  	s10 =	sld [smem:$0x3FB7]  }
0x39: {  	_ = 	snop;
	(pc) =	sbr.ind lr, $3  }
0x3a: {  	_ = 	snop  }
0x3b: {  	_ = 	snop  }
0x3c: {  	p2 =	seq.s32 s10, $0x1;
	s10 =	sld [smem:$0x3FB6]  }
0x3d: {  	_ =	shalt  }
0x3e: {  	_ =	shalt  }
0x3f: {  	_ =	shalt  }
0x40: {  	_ =	shalt  }
0x41: {  	_ =	shalt  }
0x42: {  	_ =	shalt  }
0x43: {  	_ =	shalt  }
0x44: {  	_ =	shalt  }
0x45: {  	_ =	shalt  }
0x46: {  	_ =	shalt  }
0x47: {  	_ =	shalt  }
0x48: {  	_ =	shalt  }
0x49: {  	_ =	shalt  }
0x4a: {  	_ =	shalt  }
0x4b: {  	_ =	shalt  }
0x4c: {  	_ =	shalt  }
0x4d: {  	_ =	shalt  }
0x4e: {  	_ =	shalt  }
0x4f: {  	_ =	shalt  }
0x50: {  	_ =	shalt  }
0x51: {  	_ =	shalt  }
0x52: {  	_ =	shalt  }
0x53: {  	_ =	shalt  }
0x54: {  	_ =	shalt  }
0x55: {  	_ =	shalt  }
0x56: {  	_ =	shalt  }
0x57: {  	_ =	shalt  }
0x58: {  	_ =	shalt  }
0x59: {  	_ =	shalt  }
0x5a: {  	_ =	shalt  }
0x5b: {  	_ =	shalt  }
0x5c: {  	_ =	shalt  }
0x5d: {  	_ =	shalt  }
0x5e: {  	_ =	shalt  }
0x5f: {  	_ =	shalt  }
0x60: {  	_ =	shalt  }
0x61: {  	_ =	shalt  }
0x62: {  	_ =	shalt  }
0x63: {  	_ =	shalt  }
0x64: {  	_ =	shalt  }
0x65: {  	_ =	shalt  }
0x66: {  	_ =	shalt  }
0x67: {  	_ =	shalt  }
0x68: {  	_ =	shalt  }
0x69: {  	_ =	shalt  }
0x6a: {  	_ =	shalt  }
0x6b: {  	_ =	shalt  }
0x6c: {  	_ =	shalt  }
0x6d: {  	_ =	shalt  }
0x6e: {  	_ =	shalt  }
0x6f: {  	_ =	shalt  }
0x70: {  	_ =	shalt  }
0x71: {  	_ =	shalt  }
0x72: {  	_ =	shalt  }
0x73: {  	_ =	shalt  }
0x74: {  	_ =	shalt  }
0x75: {  	_ =	shalt  }
0x76: {  	_ =	shalt  }
0x77: {  	_ =	shalt  }
0x78: {  	_ =	shalt  }
0x79: {  	_ =	shalt  }
0x7a: {  	_ =	shalt  }
0x7b: {  	_ =	shalt  }
0x7c: {  	_ =	shalt  }
0x7d: {  	_ =	shalt  }
0x7e: {  	_ =	shalt  }
0x7f: {  	_ =	shalt  }
0x80: {  	_ =	shalt  }
0x81: {  	_ =	shalt  }
0x82: {  	_ =	shalt  }
0x83: {  	_ =	shalt  }
0x84: {  	_ =	shalt  }
0x85: {  	_ =	shalt  }
0x86: {  	_ =	shalt  }
0x87: {  	_ =	shalt  }
.Lfunc_end0:
.L_simem_size_0:
called_computation.1_lowered:
.L_overlay_start_0:
0x88: {  	s2 =	sld [smem:$0x3FD9]  }
0x89: {  	s3 =	sld [smem:$0x3FFE];
	_ =	sdelay $0x1  }
0x8a: {  	s1 =	srdreg.scid  }
0x8b: {  	s0 =	sand.u32 $0x1, s1  }
0x8c: {  	s17 =	sshll.u32 s0, $0xA;
	s2 =	sadd.s32 s3, s2  }
0x8d: {  	s2 =	sadd.s32 s2, s17  }
0x8e: {  	[smem:$0x3FC2] =	sst s2  }
0x8f: {  	_ = 	snop  }
0x90: {  	s2 =	sld [smem:$0x3FD0];
	(tm) =	ssettm $0x1  }
0x91: {  	s18 =	sld [smem:$0x3FFB];
	_ =	sdelay $0x3  }
0x92: {  	_ =	strace s18  }
0x93: {  	s3 =	sld [smem:$0x3FFC];
	_ =	sdelay $0x3  }
0x94: {  	_ =	strace s3  }
0x95: {  	s3 =	sld [smem:$0x3FFD];
	_ =	sdelay $0x3  }
0x96: {  	_ =	strace s3  }
0x97: {  	_ =	strace $0x8FFFFFFF  }
0x98: {  	s19 =	sld [smem:$0x3FDB];
	_ =	sdelay $0x1  }
0x99: {  	s4 =	simm.s32 $_scs_section_size  }
0x9a: {  	s5 =	simm.s32 $_size__tile_overlayer_lowered;
	s6 =	simm.s32 $_tile_overlayer_lowered  }
0x9b: {  	s22 =	simm.s32 $0x1BFF;
	s21 =	sshll.u32 s6, $0x1;
	s3 =	sadd.s32 s4, s19  }
0x9c: {  	s7 =	simm.s32 $0x0;
	s20 =	sshll.u32 s5, $0x1;
	s5 =	sadd.s32 s21, s3  }
0x9d: {  	[timem:s7], [sflag:s22] =	dma.local [hbm:s5], s20  }
0x9e: {  	_ =	swait.ge [sflag:s22], s20  }
0x9f: {  	s4 =	ssub.s32 $0x0, s20;
	[sflag:s22] =	ssyncset.done $0x0  }
0xa0: {  	[sflag:s22] =	ssyncadd.s32 s4;
	_ =	sdelay $0x1  }
0xa1: {  	s23 =	simm.s32 $0x1B8B  }
0xa2: {  	_ =	swait.ge [sflag:s23], $0x1  }
0xa3: {  	[sflag:s23] =	ssyncset.done $0x0  }
0xa4: {  	s25 =	simm.s32 $0x1B8E;
	s24 =	sld [smem:$0x3FFE];
	[sflag:s23] =	ssyncadd.s32 $0xFFFFFFFF  }
0xa5: {  	s26 =	simm.s32 $execute0_lowered;
	[smem:$0x3FD2] =	sst s25  }
0xa6: {  	s5 =	sshll.u32 s26, $0x1;
	_ =	strace $0x80000049;
	[dreg:$0x1] =	wrdreg $0xFFFFFFFF  }
0xa7: {  	s28 =	simm.s32 $_size_execute0_lowered;
	s3 =	sadd.s32 s3, s5;
	[dreg:$0x0] =	wrdreg $0x0  }
0xa8: {  	s5 =	sshll.u32 s28, $0x1;
	[dreg:$0x2] =	wrdreg s3  }
0xa9: {  	[dreg:$0x3] =	wrdreg s5  }
0xaa: {  	[dreg:$0x4] =	wrdreg $0xC0  }
0xab: {  	_ =	task [dreg:s7], $0x5FFFF  }
0xac: {  	[dreg:$0x1] =	wrdreg $0xFFFFFFFF  }
0xad: {  	[dreg:$0x0] =	wrdreg $0x60  }
0xae: {  	[dreg:$0x2] =	wrdreg s24  }
0xaf: {  	[dreg:$0x3] =	wrdreg s2  }
0xb0: {  	[dreg:$0x4] =	wrdreg $0x0  }
0xb1: {  	[dreg:$0x5] =	wrdreg $0x9  }
0xb2: {  	_ =	task.clear_ibuf [dreg:s7], $0x6FFFF;
	_ =	strace $0x90000049  }
0xb3: {  	s29 =	simm.s32 $0x9;
	_ =	strace $0x8000004B  }
0xb4: {  	_ =	swait.ge [sflag:s29], $0x1  }
0xb5: {  	[sflag:s29] =	ssyncadd.s32 $0xFFFFFFFF  }
0xb6: {  	_ =	strace $0x9000004B  }
0xb7: {  	_ =	sfence  }
0xb8: {  	s30 =	sld [smem:$0x0];
	_ =	sdelay $0x2  }
0xb9: {  	s31 =	sshll.u32 s1, $0xD;
	s1 =	sshrl.u32 s1, $0x2  }
0xba: {  	s3 =	sand.u32 $0x4000, s31;
	s1 =	sadd.s32 s1, s30  }
0xbb: {  	s0 =	sor.u32 s3, s0;
	s1 =	sshll.u32 s1, $0x11  }
0xbc: {  	s0 =	sor.u32 s1, s0  }
0xbd: {  	s0 =	sadd.s32 $0x8F2B, s0  }
0xbe: {  	[sflag:s0] =	ssyncadd.remote.s32 $0x1  }
0xbf: {  	_ =	sfence.sel $0xFFFF  }
0xc0: {  	[dreg:$0x0] =	wrdreg $0xFFFFFFFF;
	(pc) =	sbr.abs _section_cstart, $3  }
0xc1: {  	[dreg:$0x1] =	wrdreg $0xFFFFFFFF  }
0xc2: {  	_ =	task.clear_ibuf [dreg:s7], $0x2FFFF;
	_ =	strace $0x9FFFFFFF  }
0xc3: {  	(tm) =	ssettm $0x7FFFFFFF  }
tec
execute0_lowered:
.L_overlay_start_1:
0x0: {  	(tag) =	ssettag $0x1  }
0x1: {  	s5 =	rddreg [dreg:$0x0]  }
0x2: {  	s6 =	rddreg [dreg:$0x1]  }
0x3: {  	s2 =	rddreg [dreg:$0x2];
	s0 =	stileid.u32  }
0x4: {  	s3 =	srdreg.scid;
	s1 =	rddreg [dreg:$0x3]  }
0x5: {  	s16 =	simm.s32 $0x80;
	s17 =	simm.s32 $0xEE00;
	s18 =	simm.s32 $0x7880  }
0x6: {  	s19 =	simm.s32 $0x10600;
	s20 =	simm.s32 $0x1;
	s4 =	smul.u32 $0x2C, s0  }
0x7: {  	s21 =	simm.s32 $0x2;
	s22 =	simm.s32 $0x3;
	s8 =	smul.u32 $0x74, s0  }
0x8: {  	s23 =	simm.s32 $0x4;
	s24 =	simm.s32 $0x0;
	s9 =	smul.u32 $0x7800, s0  }
0x9: {  	s7 =	sand.u32 $0x1, s3;
	s3 =	simm.s32 $0x0;
	s26 =	smul.u32 $0xF00, s0  }
0xa: {  	s31 =	sshll.u32 s0, $0x6;
	p0 =	seq.s32 s7, $0x0;
	[smem:$0x7FF] =	sst s3  }
0xb: {  	s11 =	smul.u32 $0xF000, s7;
	s7 =	ssub.s32 $0x2, s7;
	s4 =	sadd.s32 $0x740, s4  }
0xc: {  	_ =	strace $0x8000004A;
	s13 =	sshrl.u32 s9, $0x3;
	s30 =	sshrl.u32 s7, $0x1  }
0xd: {  	s15 =	sadd.s32 s9, s2;
	s4 =	smov.u32 @p0 s8;
	s8 =	sadd.s32 s26, s11  }
0xe: {  	s28 =	sadd.s32 s13, s5;
	s14 =	ssub.s32 s7, s30;
	s11 =	simm.s32 $0x7800  }
0xf: {  	s13 =	simm.s32 $0xB300;
	s15 =	sshrl.u32 s15, $0x3;
	s10 =	sshll.u32 s4, $0x4  }
0x10: {  	s4 =	sadd.s32 $0xA00, s5;
	s29 =	sadd.s32 s8, s5;
	s7 =	sadd.s32 $0x17000, s28  }
0x11: {  	s8 =	simm.s32 $0x3A;
	s12 =	sadd.s32 s10, s5;
	s5 =	sadd.s32 s6, s10  }
0x12: {  	s8 =	simm.s32 @!p0 $0x16;
	s9 =	sadd.s32 $0x26000, s29;
	s10 =	smax.u32 s14, $0x1  }
0x13: {  	s14 =	sor.u32 $0x1C05, s31;
	s6 =	sadd.s32 $0xA8000, s12;
	s12 =	simm.s32 $0x5  }
.LBB2_1:
0x14: {  	[tilespmem:s11], [sflag:$0x5] =	stream.linear.gather [hbm4b:s5+s3], $0x3B00, $0x38;
	[tilespmem:$0x11E00] =	vst v63  }
0x15: {  	_ =	swait.ge [sflag:s12], $0x3B00  }
0x16: {  	[sflag:s12] =	ssyncset.done $0x0  }
0x17: {  	[sflag:s12] =	ssyncadd.s32 $0xFFFFC500  }
0x18: {  	[tilespmem:s13], [sflag:$0x5] =	stream.linear.gather [hbm4b:s6+s3], $0x3B00, $0x38;
	[tilespmem:$0x11E00] =	vst v63  }
0x19: {  	_ =	swait.ge [sflag:s12], $0x3B00  }
0x1a: {  	[sflag:s12] =	ssyncset.done $0x0  }
0x1b: {  	[sflag:s12] =	ssyncadd.s32 $0xFFFFC500  }
0x1c: {  	[spmem:s15], [sflag:s14] =	dma.local [hbm:s7], $0xF00  }
0x1d: {  	_ =	swait.ge [sflag:s12], $0xF00  }
0x1e: {  	[sflag:s12] =	ssyncset.done $0x0  }
0x1f: {  	[sflag:s12] =	ssyncadd.s32 $0xFFFFF100  }
0x20: {  	[bflag:$0x0] =	sbarrier.arrive $0xFFFF  }
0x21: {  	[tilespmem:s17], [sflag:$0x1] =	stream.indirect.gather [hbm4b:s4+s16], $0x30, s11, s16, $0xb8;
	[tilespmem:$0x11E00] =	vst v63  }
0x22: {  	_ = 	snop  }
0x23: {  	[tilespmem:s19], [sflag:$0x2] =	stream.indirect.gather [hbm4b:s4+s16], $0x30, s18, s16, $0xb8;
	[tilespmem:$0x11E00] =	vst v63  }
0x24: {  	_ =	swait.ge [sflag:s20], $0x1800  }
0x25: {  	[sflag:s20] =	ssyncset.done $0x0  }
0x26: {  	s25 =	simm.s32 $0xB300;
	[sflag:s20] =	ssyncadd.s32 $0xFFFFE800  }
0x27: {  	[spmem:s2] =	stream.indirect.scatter.add.f32 [tilespmem:s17], [sflag:$0x3], $0x30, s25, s16, $0xb8;
	[tilespmem:$0x11E00] =	vst v63  }
0x28: {  	_ =	swait.ge [sflag:s21], $0x1800  }
0x29: {  	[sflag:s21] =	ssyncset.done $0x0  }
0x2a: {  	s30 =	simm.s32 $0xB380;
	[sflag:s21] =	ssyncadd.s32 $0xFFFFE800  }
0x2b: {  	[spmem:s2] =	stream.indirect.scatter.add.f32 [tilespmem:s19], [sflag:$0x4], $0x30, s30, s16, $0xb8;
	[tilespmem:$0x11E00] =	vst v63  }
0x2c: {  	_ =	swait.ge [sflag:s22], $0x1800  }
0x2d: {  	p0 =	sne.s32 s8, $0x1;
	[sflag:s22] =	ssyncset.done $0x0  }
.Ltmp0:
0x2e: {  	s31 =	simm.s32 $0x7900;
	[sflag:s22] =	ssyncadd.s32 $0xFFFFE800;
	(pc) =	sbr.rel @!p0 .LBB2_3-.Ltmp0, $4  }
0x2f: {  	[tilespmem:s17], [sflag:$0x1] =	stream.indirect.gather [hbm4b:s4+s16], $0x30, s31, s16, $0xb8;
	[tilespmem:$0x11E00] =	vst v63  }
0x30: {  	_ =	swait.ge [sflag:s23], $0x1800  }
0x31: {  	s26 =	simm.s32 $0x7980;
	s28 =	simm.s32 $0x7A80;
	[sflag:s23] =	ssyncset.done $0x0  }
0x32: {  	s29 =	simm.s32 $0xB480;
	s25 =	sadd.s32 $0xFFFFFFFF, s8;
	[sflag:s23] =	ssyncadd.s32 $0xFFFFE800  }
.LBB2_2:
0x33: {  	[tilespmem:s19], [sflag:$0x2] =	stream.indirect.gather [hbm4b:s4+s16], $0x30, s26, s16, $0xb8;
	[tilespmem:$0x11E00] =	vst v63  }
0x34: {  	p0 =	sne.s32 s25, $0x1;
	s25 =	sadd.s32 $0xFFFFFFFF, s25;
	_ =	swait.ge [sflag:s20], $0x1800  }
0x35: {  	s26 =	smov.u32 s28;
	[sflag:s20] =	ssyncset.done $0x0  }
0x36: {  	s30 =	sadd.s32 $0xFFFFFF80, s29;
	[sflag:s20] =	ssyncadd.s32 $0xFFFFE800  }
0x37: {  	[spmem:s2] =	stream.indirect.scatter.add.f32 [tilespmem:s17], [sflag:$0x3], $0x30, s30, s16, $0xb8;
	[tilespmem:$0x11E00] =	vst v63  }
0x38: {  	_ =	swait.ge [sflag:s21], $0x1800  }
0x39: {  	[sflag:s21] =	ssyncset.done $0x0  }
0x3a: {  	[sflag:s21] =	ssyncadd.s32 $0xFFFFE800  }
0x3b: {  	[spmem:s2] =	stream.indirect.scatter.add.f32 [tilespmem:s19], [sflag:$0x4], $0x30, s29, s16, $0xb8;
	[tilespmem:$0x11E00] =	vst v63  }
0x3c: {  	_ =	swait.ge [sflag:s22], $0x1800  }
0x3d: {  	[sflag:s22] =	ssyncset.done $0x0  }
.Ltmp1:
0x3e: {  	s30 =	sadd.s32 $0xFFFFFF80, s28;
	[sflag:s22] =	ssyncadd.s32 $0xFFFFE800;
	(pc) =	sbr.rel @p0 .LBB2_2-.Ltmp1, $4  }
0x3f: {  	[tilespmem:s17], [sflag:$0x1] =	stream.indirect.gather [hbm4b:s4+s16], $0x30, s30, s16, $0xb8;
	[tilespmem:$0x11E00] =	vst v63  }
0x40: {  	_ =	swait.ge [sflag:s23], $0x1800  }
0x41: {  	[sflag:s23] =	ssyncset.done $0x0  }
0x42: {  	s28 =	sadd.s32 $0x100, s28;
	s29 =	sadd.s32 $0x100, s29;
	[sflag:s23] =	ssyncadd.s32 $0xFFFFE800  }
.LBB2_3:
0x43: {  	[tilespmem:s19], [sflag:$0x2] =	stream.indirect.gather [hbm4b:s4+s16], $0x30, s26, s16, $0xb8;
	[tilespmem:$0x11E00] =	vst v63  }
0x44: {  	_ =	swait.ge [sflag:s20], $0x1800  }
0x45: {  	[sflag:s20] =	ssyncset.done $0x0  }
0x46: {  	[sflag:s20] =	ssyncadd.s32 $0xFFFFE800  }
0x47: {  	_ =	swait.ge [sflag:s21], $0x1800  }
0x48: {  	s24 =	sadd.s32 $0x1, s24;
	[sflag:s21] =	ssyncset.done $0x0  }
0x49: {  	p0 =	sne.s32 s24, s10;
	[sflag:s21] =	ssyncadd.s32 $0xFFFFE800  }
.Ltmp2:
0x4a: {  	[bflag:$0x0] =	sbarrier.arrive $0xFFFF;
	(pc) =	sbr.rel @p0 .LBB2_1-.Ltmp2, $4  }
0x4b: {  	[hbm:s9], [sflag:s14] =	dma.local [spmem:s15], $0xF00  }
0x4c: {  	_ =	swait.ge [sflag:s12], $0xF00  }
0x4d: {  	[sflag:s12] =	ssyncset.done $0x0  }
0x4e: {  	[sflag:s12] =	ssyncadd.s32 $0xFFFFF100  }
0x4f: {  	_ =	sfence.sel $0x180000  }
0x50: {  	[bflag:$0x0] =	sbarrier.arrive $0xFFFF  }
0x51: {  	p0 =	sne.s32 s0, $0x0;
	_ =	strace $0x9000004A  }
0x52: {  	s0 =	sadd.s32 @!p0 $0x100000, s1;
	[bflag:$0x2] =	sbarrier.arrive $0xFFFF  }
0x53: {  	[sflag:s0] =	ssyncadd.tile.s32 @!p0 $0x1;
	_ =	shalt  }
.Lfunc_end2:
_tile_overlayer_lowered:
.L_overlay_start_2:
0x54: {  	(tag) =	ssettag $0x2  }
0x55: {  	s0 =	rddreg [dreg:$0x0];
	s2 =	stileid.u32  }
0x56: {  	s1 =	rddreg [dreg:$0x1];
	p0 =	sne.s32 s2, $0x0  }
0x57: {  	s3 =	rddreg [dreg:$0x2];
	[bflag:$0x3] =	sbarrier.arrive $0xFFFF;
	s2 =	simm.s32 @!p0 $0x1C05  }
0x58: {  	[timem:s3], [sflag:s2] =	dma.local @!p0 [hbm:s0], s1  }
0x59: {  	s0 =	simm.s32 @!p0 $0x5  }
0x5a: {  	_ =	swait.ge @!p0 [sflag:s0], s1  }
0x5b: {  	s1 =	ssub.s32 @!p0 $0x0, s1;
	[sflag:s0] =	ssyncset.done @!p0 $0x0  }
0x5c: {  	[sflag:s0] =	ssyncadd.s32 @!p0 s1  }
0x5d: {  	[bflag:$0x3] =	sbarrier.arrive $0xFFFF  }
0x5e: {  	_ =	shalt  }

</sc_bundles>
